<compile_context>
chip_gen: v7x
topology: tpu7x:2x2x1
jax: 0.10.2.dev20260603
libtpu: 0.0.44.dev20260713+nightly
codegen_flags: <defaults>
</compile_context>

<pallas_src>
import functools

import jax
import jax.numpy as jnp
from jax import lax
from jax.experimental.compute_on import compute_on
from jax.experimental import pallas as pl
from jax.experimental.pallas import tpu as pltpu
from jax.experimental.pallas import tpu_sc as plsc

N = 8192
NCH = 3
LANES = 16

TC_ROWS = 5632
SC_ROWS = N - TC_ROWS

NW = 32
QPW = SC_ROWS // NW
QBLK = 16
NCHUNK = N // LANES

ROW_BLK = 128
COL_CHUNK = 128
N_ROW_BLKS = TC_ROWS // ROW_BLK
N_COL_CHUNKS = N // COL_CHUNK



def _tc_body(a_ref, b_ref, rowsum_ref, colacc_ref):
    c = pl.program_id(0)
    r = pl.program_id(1)

    @pl.when((c == 0) & (r == 0))
    def _init():
        rowsum_ref[0, 0] = 0.0
        colacc_ref[...] = jnp.full(
            (NCH * N_COL_CHUNKS, 8, COL_CHUNK), jnp.inf, dtype=jnp.float32)

    a = jnp.broadcast_to(a_ref[0], (ROW_BLK, COL_CHUNK))

    GRP = 8

    def group_step(g, rowacc):
        bg = b_ref[0, pl.ds(g * GRP, GRP), :]
        parts = []
        for kk in range(GRP):
            bc = lax.slice(bg, (kk, 0), (kk + 1, COL_CHUNK))
            d = jnp.abs(a - bc)
            rowacc = jnp.minimum(rowacc, d)
            parts.append(jnp.min(
                d.reshape(ROW_BLK // 8, 8, COL_CHUNK), axis=0))
        colpart = jnp.stack(parts, axis=0)
        row0 = c * N_COL_CHUNKS + g * GRP
        colacc_ref[pl.ds(row0, GRP), :, :] = jnp.minimum(
            colacc_ref[pl.ds(row0, GRP), :, :], colpart)
        return rowacc

    rowacc0 = jnp.full((ROW_BLK, COL_CHUNK), jnp.inf, dtype=jnp.float32)
    rowacc = jax.lax.fori_loop(0, N_COL_CHUNKS // GRP, group_step, rowacc0)
    rowmin = jnp.min(rowacc, axis=1)
    rowsum_ref[0, 0] += jnp.sum(rowmin)


def _tc_partials(a3, b3):
    return pl.pallas_call(
        _tc_body,
        grid=(NCH, N_ROW_BLKS),
        in_specs=[
            pl.BlockSpec((1, ROW_BLK, 1), lambda c, r: (c, r, 0)),
            pl.BlockSpec((1, N_COL_CHUNKS, COL_CHUNK), lambda c, r: (c, 0, 0)),
        ],
        out_specs=[
            pl.BlockSpec((1, 1), lambda c, r: (0, 0),
                         memory_space=pltpu.SMEM),
            pl.BlockSpec((NCH * N_COL_CHUNKS, 8, COL_CHUNK),
                         lambda c, r: (0, 0, 0)),
        ],
        out_shape=[
            jax.ShapeDtypeStruct((1, 1), jnp.float32),
            jax.ShapeDtypeStruct((NCH * N_COL_CHUNKS, 8, COL_CHUNK),
                                 jnp.float32),
        ],
        compiler_params=pltpu.CompilerParams(
            dimension_semantics=("arbitrary", "arbitrary")),
        cost_estimate=pl.CostEstimate(
            flops=4 * NCH * TC_ROWS * N, transcendentals=0,
            bytes_accessed=NCH * (TC_ROWS + N) * 4),
    )(a3, b3)



def _sc_body(at_hbm, bt_hbm, rowsum_hbm, colacc_hbm,
             a_v, b_v, colacc_v, out_v):
    wid = lax.axis_index("s") * 2 + lax.axis_index("c")
    base = TC_ROWS + wid * QPW

    for c in range(NCH):
        pltpu.sync_copy(at_hbm.at[pl.ds(c * N + base, QPW)],
                        a_v.at[pl.ds(c * QPW, QPW)])
    pltpu.sync_copy(bt_hbm, b_v)

    inf16 = jnp.full((LANES,), jnp.inf, dtype=jnp.float32)

    def init_body(i, carry):
        colacc_v[pl.ds(i * LANES, LANES)] = inf16
        return carry

    lax.fori_loop(0, NCH * NCHUNK, init_body, 0, unroll=8)

    lane0 = lax.iota(jnp.int32, LANES) == 0
    total = jnp.zeros((LANES,), dtype=jnp.float32)
    for c in range(NCH):
        def qgroup(g, rowsum, c=c):
            avec = a_v[pl.ds(c * QPW + g * LANES, LANES)]
            gdn = lax.GatherDimensionNumbers(
                offset_dims=(), collapsed_slice_dims=(0,),
                start_index_map=(0,))
            ab = [lax.gather(avec,
                             jnp.full((LANES, 1), q, jnp.int32),
                             gdn, (1,),
                             mode=lax.GatherScatterMode.PROMISE_IN_BOUNDS)
                  for q in range(QBLK)]

            def sweep(j, accs, c=c, ab=ab):
                bv = b_v[pl.ds(c * N + j * LANES, LANES)]
                ds = [jnp.abs(bv - ab[q]) for q in range(QBLK)]
                t = ds
                while len(t) > 1:
                    t = [jnp.minimum(t[2 * i], t[2 * i + 1])
                         for i in range(len(t) // 2)]
                off = c * N + j * LANES
                colacc_v[pl.ds(off, LANES)] = jnp.minimum(
                    colacc_v[pl.ds(off, LANES)], t[0])
                return tuple(jnp.minimum(accs[q], ds[q]) for q in range(QBLK))

            accs = lax.fori_loop(0, NCHUNK, sweep, (inf16,) * QBLK)
            for q in range(QBLK):
                smin, _ = plsc.sort_key_val(accs[q], accs[q])
                rowsum = rowsum + jnp.where(lane0, smin, 0.0)
            return rowsum

        total = lax.fori_loop(0, QPW // QBLK, qgroup, total)

    out_v[...] = total
    pltpu.sync_copy(out_v, rowsum_hbm.at[wid])
    pltpu.sync_copy(colacc_v, colacc_hbm.at[wid])


def _sc_partials(at, bt):
    mesh = plsc.VectorSubcoreMesh(core_axis_name="c", subcore_axis_name="s")
    f = functools.partial(
        pl.kernel,
        out_type=(
            jax.ShapeDtypeStruct((NW, LANES), jnp.float32),
            jax.ShapeDtypeStruct((NW, NCH * N), jnp.float32),
        ),
        mesh=mesh,
        scratch_types=[
            pltpu.VMEM((NCH * QPW,), jnp.float32),
            pltpu.VMEM((NCH * N,), jnp.float32),
            pltpu.VMEM((NCH * N,), jnp.float32),
            pltpu.VMEM((LANES,), jnp.float32),
        ],
        compiler_params=pltpu.CompilerParams(needs_layout_passes=False),
        cost_estimate=pl.CostEstimate(
            flops=4 * NCH * SC_ROWS * N, transcendentals=0,
            bytes_accessed=(NW * NCH * N + NCH * (SC_ROWS + N)) * 4),
    )(_sc_body)
    return f(at, bt)



N_COMB = (NCH * N) // COL_CHUNK


def _combine_body(rowsum_sc_ref, rowsum_tc_ref, colacc_tc_ref,
                  colacc_sc_ref, out_ref, acc_ref):
    k = pl.program_id(0)

    @pl.when(k == 0)
    def _init():
        acc_ref[0] = 0.0

    tcm = jnp.min(colacc_tc_ref[0], axis=0, keepdims=True)
    scm = jnp.min(colacc_sc_ref[...], axis=0, keepdims=True)
    acc_ref[0] += jnp.sum(jnp.minimum(tcm, scm))

    @pl.when(k == N_COMB - 1)
    def _finish():
        out_ref[0, 0] = (acc_ref[0] + rowsum_tc_ref[0, 0]
                         + jnp.sum(rowsum_sc_ref[...])) / N


def _combine(rowsum_sc, rowsum_tc, colacc_tc, colacc_sc):
    return pl.pallas_call(
        _combine_body,
        grid=(N_COMB,),
        in_specs=[
            pl.BlockSpec((NW, LANES), lambda k: (0, 0)),
            pl.BlockSpec((1, 1), lambda k: (0, 0),
                         memory_space=pltpu.SMEM),
            pl.BlockSpec((1, 8, COL_CHUNK), lambda k: (k, 0, 0)),
            pl.BlockSpec((NW, COL_CHUNK), lambda k: (0, k)),
        ],
        out_specs=pl.BlockSpec(
            (1, 1), lambda k: (0, 0), memory_space=pltpu.SMEM),
        out_shape=jax.ShapeDtypeStruct((1, 1), jnp.float32),
        scratch_shapes=[pltpu.SMEM((1,), jnp.float32)],
        compiler_params=pltpu.CompilerParams(
            dimension_semantics=("arbitrary",)),
    )(rowsum_sc, rowsum_tc, colacc_tc, colacc_sc)


@jax.jit
def kernel(pred, target):
    at = pred.T
    bt = target.T
    a3 = at[:, :TC_ROWS, None]
    b3 = bt.reshape(NCH, N_COL_CHUNKS, COL_CHUNK)
    at_flat = at.reshape(NCH * N)
    bt_flat = bt.reshape(NCH * N)
    with compute_on("tpu_sparsecore"):
        rowsum_sc, colacc_sc = _sc_partials(at_flat, bt_flat)
    rowsum_tc, colacc_tc = _tc_partials(a3, b3)
    out = _combine(rowsum_sc, rowsum_tc, colacc_tc, colacc_sc)
    return out[0, 0]

# --- scband reference (transcript-rebuilt; emitter-appended) ---
"""Pipeline reference for scband-separated-channel-chamfer-loss-3977139716130 (READ-ONLY COPY).

The authoritative reference and input builder live on the scoring server;
editing this copy changes nothing except your own understanding.
"""

import jax, jax.numpy as jnp
import numpy as np

N = 8192

def setup_inputs(seed: int = 0) -> dict:
    key = jax.random.key(seed)
    k1, k2 = jax.random.split(key)
    pred = jax.random.normal(k1, (N, 3), dtype=jnp.float32)
    target = jax.random.normal(k2, (N, 3), dtype=jnp.float32)
    return {"pred": pred, "target": target}

def _chamfer_distance_1d(a, b):
    # dist_matrix[i, j] = |a_i - b_j|  (1-D euclidean / cdist p=2 on scalars)
    dist_matrix = jnp.abs(a[:, None] - b[None, :])
    min_dist_a_to_b = jnp.min(dist_matrix, axis=1)
    min_dist_b_to_a = jnp.min(dist_matrix, axis=0)
    return jnp.mean(min_dist_a_to_b) + jnp.mean(min_dist_b_to_a)

def reference(pred, target):
    assert pred.shape == target.shape
    assert pred.shape[-1] == 3
    pred_x, pred_y, pred_z = pred[:, 0], pred[:, 1], pred[:, 2]
    target_x, target_y, target_z = target[:, 0], target[:, 1], target[:, 2]
    loss_x = _chamfer_distance_1d(pred_x, target_x)
    loss_y = _chamfer_distance_1d(pred_y, target_y)
    loss_z = _chamfer_distance_1d(pred_z, target_z)
    return loss_x + loss_y + loss_z

if __name__ == "__main__":
    import jax
    _d = setup_inputs()
    print(jax.jit(kernel)(*tuple(_d.values())))

</pallas_src>

<mosaic_0001>
#map = affine_map<(d0, d1) -> (0)>
#map1 = affine_map<(d0, d1) -> (0, 0)>
module attributes {stable_mosaic.version = 14 : i64} {
  func.func @_sc_body(%arg0: i32, %arg1: i32, %arg2: memref<24576xf32, #tpu.memory_space<hbm>>, %arg3: memref<24576xf32, #tpu.memory_space<hbm>>, %arg4: memref<32x16xf32, #tpu.memory_space<hbm>>, %arg5: memref<32x24576xf32, #tpu.memory_space<hbm>>, %arg6: memref<240xf32, #tpu.memory_space<vmem>>, %arg7: memref<24576xf32, #tpu.memory_space<vmem>>, %arg8: memref<24576xf32, #tpu.memory_space<vmem>>, %arg9: memref<16xf32, #tpu.memory_space<vmem>>) attributes {dimension_semantics = [#tpu.dimension_semantics<core_parallel>, #tpu.dimension_semantics<subcore_parallel>], iteration_bounds = array<i64: 2, 16>, scalar_prefetch = 0 : i64, scratch_operands = 4 : i64, tpu.core_type = #tpu.core_type<sc_vector_subcore>, window_params = [{transform_indices = #map}, {transform_indices = #map}, {transform_indices = #map1}, {transform_indices = #map1}]} {
    %mul3A = arith.constant 2 : i32
    %mul3A_0 = arith.muli %arg1, %mul3A : i32
    %add3A = arith.addi %mul3A_0, %arg0 : i32
    %mul3A_1 = arith.constant 80 : i32
    %mul3A_2 = arith.muli %add3A, %mul3A_1 : i32
    %add3A_3 = arith.constant 5632 : i32
    %add3A_4 = arith.addi %add3A_3, %mul3A_2 : i32
    %add3A_5 = arith.constant 0 : i32
    %add3A_6 = arith.addi %add3A_5, %add3A_4 : i32
    "tpu.region"() ({
      %run_scoped3A = tpu.sem_alloc : memref<!tpu.dma_semaphore, #tpu.memory_space<semaphore_mem>>
      %dma_start3A = arith.constant 0 : i32
      %dma_start3A_40 = tpu.memref_slice %arg6[%dma_start3A] : memref<240xf32, #tpu.memory_space<vmem>> -> memref<80xf32, #tpu.memory_space<vmem>>
      %dma_start3A_41 = tpu.memref_slice %arg2[%add3A_6] : memref<24576xf32, #tpu.memory_space<hbm>> -> memref<80xf32, #tpu.memory_space<hbm>>
      %dma_start3A_42 = arith.constant 0 : i32
      %dma_start3A_43 = tpu.memref_slice %arg6[%dma_start3A_42] : memref<240xf32, #tpu.memory_space<vmem>> -> memref<80xf32, #tpu.memory_space<vmem>>
      %dma_start3A_44 = tpu.memref_slice %arg2[%add3A_6] : memref<24576xf32, #tpu.memory_space<hbm>> -> memref<80xf32, #tpu.memory_space<hbm>>
      tpu.enqueue_dma source(%dma_start3A_44 : memref<80xf32, #tpu.memory_space<hbm>>) target(%dma_start3A_43 : memref<80xf32, #tpu.memory_space<vmem>>) target_semaphore(%run_scoped3A : memref<!tpu.dma_semaphore, #tpu.memory_space<semaphore_mem>>)
      %dma_wait3A = arith.constant 0 : i32
      %dma_wait3A_45 = tpu.memref_slice %arg6[%dma_wait3A] : memref<240xf32, #tpu.memory_space<vmem>> -> memref<80xf32, #tpu.memory_space<vmem>>
      %dma_wait3A_46 = tpu.memref_slice %arg2[%add3A_6] : memref<24576xf32, #tpu.memory_space<hbm>> -> memref<80xf32, #tpu.memory_space<hbm>>
      %dma_wait3A_47 = arith.constant 0 : i32
      %dma_wait3A_48 = tpu.memref_slice %arg6[%dma_wait3A_47] : memref<240xf32, #tpu.memory_space<vmem>> -> memref<80xf32, #tpu.memory_space<vmem>>
      %dma_wait3A_49 = tpu.memref_slice %arg2[%add3A_6] : memref<24576xf32, #tpu.memory_space<hbm>> -> memref<80xf32, #tpu.memory_space<hbm>>
      tpu.wait_dma2 semaphore(%run_scoped3A : memref<!tpu.dma_semaphore, #tpu.memory_space<semaphore_mem>>) src(%dma_wait3A_49 : memref<80xf32, #tpu.memory_space<hbm>>) dst(%dma_wait3A_48 : memref<80xf32, #tpu.memory_space<vmem>>)
      tpu.yield
    }) : () -> ()
    %add3A_7 = arith.constant 8192 : i32
    %add3A_8 = arith.addi %add3A_7, %add3A_4 : i32
    "tpu.region"() ({
      %run_scoped3A = tpu.sem_alloc : memref<!tpu.dma_semaphore, #tpu.memory_space<semaphore_mem>>
      %dma_start3A = arith.constant 80 : i32
      %dma_start3A_40 = tpu.memref_slice %arg6[%dma_start3A] : memref<240xf32, #tpu.memory_space<vmem>> -> memref<80xf32, #tpu.memory_space<vmem>>
      %dma_start3A_41 = tpu.memref_slice %arg2[%add3A_8] : memref<24576xf32, #tpu.memory_space<hbm>> -> memref<80xf32, #tpu.memory_space<hbm>>
      %dma_start3A_42 = arith.constant 80 : i32
      %dma_start3A_43 = tpu.memref_slice %arg6[%dma_start3A_42] : memref<240xf32, #tpu.memory_space<vmem>> -> memref<80xf32, #tpu.memory_space<vmem>>
      %dma_start3A_44 = tpu.memref_slice %arg2[%add3A_8] : memref<24576xf32, #tpu.memory_space<hbm>> -> memref<80xf32, #tpu.memory_space<hbm>>
      tpu.enqueue_dma source(%dma_start3A_44 : memref<80xf32, #tpu.memory_space<hbm>>) target(%dma_start3A_43 : memref<80xf32, #tpu.memory_space<vmem>>) target_semaphore(%run_scoped3A : memref<!tpu.dma_semaphore, #tpu.memory_space<semaphore_mem>>)
      %dma_wait3A = arith.constant 80 : i32
      %dma_wait3A_45 = tpu.memref_slice %arg6[%dma_wait3A] : memref<240xf32, #tpu.memory_space<vmem>> -> memref<80xf32, #tpu.memory_space<vmem>>
      %dma_wait3A_46 = tpu.memref_slice %arg2[%add3A_8] : memref<24576xf32, #tpu.memory_space<hbm>> -> memref<80xf32, #tpu.memory_space<hbm>>
      %dma_wait3A_47 = arith.constant 80 : i32
      %dma_wait3A_48 = tpu.memref_slice %arg6[%dma_wait3A_47] : memref<240xf32, #tpu.memory_space<vmem>> -> memref<80xf32, #tpu.memory_space<vmem>>
      %dma_wait3A_49 = tpu.memref_slice %arg2[%add3A_8] : memref<24576xf32, #tpu.memory_space<hbm>> -> memref<80xf32, #tpu.memory_space<hbm>>
      tpu.wait_dma2 semaphore(%run_scoped3A : memref<!tpu.dma_semaphore, #tpu.memory_space<semaphore_mem>>) src(%dma_wait3A_49 : memref<80xf32, #tpu.memory_space<hbm>>) dst(%dma_wait3A_48 : memref<80xf32, #tpu.memory_space<vmem>>)
      tpu.yield
    }) : () -> ()
    %add3A_9 = arith.constant 16384 : i32
    %add3A_10 = arith.addi %add3A_9, %add3A_4 : i32
    "tpu.region"() ({
      %run_scoped3A = tpu.sem_alloc : memref<!tpu.dma_semaphore, #tpu.memory_space<semaphore_mem>>
      %dma_start3A = arith.constant 160 : i32
      %dma_start3A_40 = tpu.memref_slice %arg6[%dma_start3A] : memref<240xf32, #tpu.memory_space<vmem>> -> memref<80xf32, #tpu.memory_space<vmem>>
      %dma_start3A_41 = tpu.memref_slice %arg2[%add3A_10] : memref<24576xf32, #tpu.memory_space<hbm>> -> memref<80xf32, #tpu.memory_space<hbm>>
      %dma_start3A_42 = arith.constant 160 : i32
      %dma_start3A_43 = tpu.memref_slice %arg6[%dma_start3A_42] : memref<240xf32, #tpu.memory_space<vmem>> -> memref<80xf32, #tpu.memory_space<vmem>>
      %dma_start3A_44 = tpu.memref_slice %arg2[%add3A_10] : memref<24576xf32, #tpu.memory_space<hbm>> -> memref<80xf32, #tpu.memory_space<hbm>>
      tpu.enqueue_dma source(%dma_start3A_44 : memref<80xf32, #tpu.memory_space<hbm>>) target(%dma_start3A_43 : memref<80xf32, #tpu.memory_space<vmem>>) target_semaphore(%run_scoped3A : memref<!tpu.dma_semaphore, #tpu.memory_space<semaphore_mem>>)
      %dma_wait3A = arith.constant 160 : i32
      %dma_wait3A_45 = tpu.memref_slice %arg6[%dma_wait3A] : memref<240xf32, #tpu.memory_space<vmem>> -> memref<80xf32, #tpu.memory_space<vmem>>
      %dma_wait3A_46 = tpu.memref_slice %arg2[%add3A_10] : memref<24576xf32, #tpu.memory_space<hbm>> -> memref<80xf32, #tpu.memory_space<hbm>>
      %dma_wait3A_47 = arith.constant 160 : i32
      %dma_wait3A_48 = tpu.memref_slice %arg6[%dma_wait3A_47] : memref<240xf32, #tpu.memory_space<vmem>> -> memref<80xf32, #tpu.memory_space<vmem>>
      %dma_wait3A_49 = tpu.memref_slice %arg2[%add3A_10] : memref<24576xf32, #tpu.memory_space<hbm>> -> memref<80xf32, #tpu.memory_space<hbm>>
      tpu.wait_dma2 semaphore(%run_scoped3A : memref<!tpu.dma_semaphore, #tpu.memory_space<semaphore_mem>>) src(%dma_wait3A_49 : memref<80xf32, #tpu.memory_space<hbm>>) dst(%dma_wait3A_48 : memref<80xf32, #tpu.memory_space<vmem>>)
      tpu.yield
    }) : () -> ()
    "tpu.region"() ({
      %run_scoped3A = tpu.sem_alloc : memref<!tpu.dma_semaphore, #tpu.memory_space<semaphore_mem>>
      tpu.enqueue_dma source(%arg3 : memref<24576xf32, #tpu.memory_space<hbm>>) target(%arg7 : memref<24576xf32, #tpu.memory_space<vmem>>) target_semaphore(%run_scoped3A : memref<!tpu.dma_semaphore, #tpu.memory_space<semaphore_mem>>)
      tpu.wait_dma2 semaphore(%run_scoped3A : memref<!tpu.dma_semaphore, #tpu.memory_space<semaphore_mem>>) src(%arg3 : memref<24576xf32, #tpu.memory_space<hbm>>) dst(%arg7 : memref<24576xf32, #tpu.memory_space<vmem>>)
      tpu.yield
    }) : () -> ()
    %broadcast_in_dim3A = arith.constant 0x7F800000 : f32
    %broadcast_in_dim3A_11 = vector.broadcast %broadcast_in_dim3A : f32 to vector<16xf32>
    %scan3A = arith.constant 0 : i32
    %scan3A_12 = arith.constant 0 : i32
    %scan3A_13 = arith.constant 1536 : i32
    %scan3A_14 = arith.addi %scan3A_12, %scan3A_13 : i32
    %scan3A_15 = arith.constant 8 : i32
    scf.for %scan3A_40 = %scan3A_12 to %scan3A_14 step %scan3A_15  : i32 {
      %mul3A_41 = arith.constant 16 : i32
      %mul3A_42 = arith.muli %scan3A_40, %mul3A_41 : i32
      %swap3A_43 = arith.index_cast %mul3A_42 : i32 to index
      %swap3A_44 = tpu.vector_load %arg8[%swap3A_43] {strides = array<i32>} : memref<24576xf32, #tpu.memory_space<vmem>>, vector<16xf32>,
      tpu.vector_store %arg8[%swap3A_43], %broadcast_in_dim3A_11 {strides = array<i32>} : memref<24576xf32, #tpu.memory_space<vmem>>, vector<16xf32>,
      %scan3A_45 = arith.constant 1 : i32
      %scan3A_46 = arith.addi %scan3A_40, %scan3A_45 : i32
      %mul3A_47 = arith.constant 16 : i32
      %mul3A_48 = arith.muli %scan3A_46, %mul3A_47 : i32
      %swap3A_49 = arith.index_cast %mul3A_48 : i32 to index
      %swap3A_50 = tpu.vector_load %arg8[%swap3A_49] {strides = array<i32>} : memref<24576xf32, #tpu.memory_space<vmem>>, vector<16xf32>,
      tpu.vector_store %arg8[%swap3A_49], %broadcast_in_dim3A_11 {strides = array<i32>} : memref<24576xf32, #tpu.memory_space<vmem>>, vector<16xf32>,
      %scan3A_51 = arith.constant 2 : i32
      %scan3A_52 = arith.addi %scan3A_40, %scan3A_51 : i32
      %mul3A_53 = arith.constant 16 : i32
      %mul3A_54 = arith.muli %scan3A_52, %mul3A_53 : i32
      %swap3A_55 = arith.index_cast %mul3A_54 : i32 to index
      %swap3A_56 = tpu.vector_load %arg8[%swap3A_55] {strides = array<i32>} : memref<24576xf32, #tpu.memory_space<vmem>>, vector<16xf32>,
      tpu.vector_store %arg8[%swap3A_55], %broadcast_in_dim3A_11 {strides = array<i32>} : memref<24576xf32, #tpu.memory_space<vmem>>, vector<16xf32>,
      %scan3A_57 = arith.constant 3 : i32
      %scan3A_58 = arith.addi %scan3A_40, %scan3A_57 : i32
      %mul3A_59 = arith.constant 16 : i32
      %mul3A_60 = arith.muli %scan3A_58, %mul3A_59 : i32
      %swap3A_61 = arith.index_cast %mul3A_60 : i32 to index
      %swap3A_62 = tpu.vector_load %arg8[%swap3A_61] {strides = array<i32>} : memref<24576xf32, #tpu.memory_space<vmem>>, vector<16xf32>,
      tpu.vector_store %arg8[%swap3A_61], %broadcast_in_dim3A_11 {strides = array<i32>} : memref<24576xf32, #tpu.memory_space<vmem>>, vector<16xf32>,
      %scan3A_63 = arith.constant 4 : i32
      %scan3A_64 = arith.addi %scan3A_40, %scan3A_63 : i32
      %mul3A_65 = arith.constant 16 : i32
      %mul3A_66 = arith.muli %scan3A_64, %mul3A_65 : i32
      %swap3A_67 = arith.index_cast %mul3A_66 : i32 to index
      %swap3A_68 = tpu.vector_load %arg8[%swap3A_67] {strides = array<i32>} : memref<24576xf32, #tpu.memory_space<vmem>>, vector<16xf32>,
      tpu.vector_store %arg8[%swap3A_67], %broadcast_in_dim3A_11 {strides = array<i32>} : memref<24576xf32, #tpu.memory_space<vmem>>, vector<16xf32>,
      %scan3A_69 = arith.constant 5 : i32
      %scan3A_70 = arith.addi %scan3A_40, %scan3A_69 : i32
      %mul3A_71 = arith.constant 16 : i32
      %mul3A_72 = arith.muli %scan3A_70, %mul3A_71 : i32
      %swap3A_73 = arith.index_cast %mul3A_72 : i32 to index
      %swap3A_74 = tpu.vector_load %arg8[%swap3A_73] {strides = array<i32>} : memref<24576xf32, #tpu.memory_space<vmem>>, vector<16xf32>,
      tpu.vector_store %arg8[%swap3A_73], %broadcast_in_dim3A_11 {strides = array<i32>} : memref<24576xf32, #tpu.memory_space<vmem>>, vector<16xf32>,
      %scan3A_75 = arith.constant 6 : i32
      %scan3A_76 = arith.addi %scan3A_40, %scan3A_75 : i32
      %mul3A_77 = arith.constant 16 : i32
      %mul3A_78 = arith.muli %scan3A_76, %mul3A_77 : i32
      %swap3A_79 = arith.index_cast %mul3A_78 : i32 to index
      %swap3A_80 = tpu.vector_load %arg8[%swap3A_79] {strides = array<i32>} : memref<24576xf32, #tpu.memory_space<vmem>>, vector<16xf32>,
      tpu.vector_store %arg8[%swap3A_79], %broadcast_in_dim3A_11 {strides = array<i32>} : memref<24576xf32, #tpu.memory_space<vmem>>, vector<16xf32>,
      %scan3A_81 = arith.constant 7 : i32
      %scan3A_82 = arith.addi %scan3A_40, %scan3A_81 : i32
      %mul3A_83 = arith.constant 16 : i32
      %mul3A_84 = arith.muli %scan3A_82, %mul3A_83 : i32
      %swap3A_85 = arith.index_cast %mul3A_84 : i32 to index
      %swap3A_86 = tpu.vector_load %arg8[%swap3A_85] {strides = array<i32>} : memref<24576xf32, #tpu.memory_space<vmem>>, vector<16xf32>,
      tpu.vector_store %arg8[%swap3A_85], %broadcast_in_dim3A_11 {strides = array<i32>} : memref<24576xf32, #tpu.memory_space<vmem>>, vector<16xf32>,
    }
    %scan3A_16 = arith.constant 1536 : i32
    %iota3A = tpu.iota {dimensions = array<i32: 0>} : vector<16xi32>
    %eq3A = arith.constant 0 : i32
    %eq3A_17 = vector.broadcast %eq3A : i32 to vector<16xi32>
    %eq3A_18 = arith.cmpi eq, %iota3A, %eq3A_17 : vector<16xi32>
    %broadcast_in_dim3A_19 = arith.constant 0.000000e+00 : f32
    %broadcast_in_dim3A_20 = vector.broadcast %broadcast_in_dim3A_19 : f32 to vector<16xf32>
    %scan3A_21 = arith.constant 0 : i32
    %scan3A_22 = arith.constant 5 : i32
    %scan3A_23 = arith.addi %scan3A_21, %scan3A_22 : i32
    %scan3A_24 = arith.constant 1 : i32
    %scan3A_25 = scf.for %scan3A_40 = %scan3A_21 to %scan3A_23 step %scan3A_24 iter_args(%scan3A_41 = %broadcast_in_dim3A_20) -> (vector<16xf32>)  : i32 {
      %mul3A_42 = arith.constant 16 : i32
      %mul3A_43 = arith.muli %scan3A_40, %mul3A_42 : i32
      %add3A_44 = arith.constant 0 : i32
      %add3A_45 = arith.addi %add3A_44, %mul3A_43 : i32
      %get3A = arith.index_cast %add3A_45 : i32 to index
      %get3A_46 = tpu.vector_load %arg6[%get3A] {strides = array<i32>} : memref<240xf32, #tpu.memory_space<vmem>>, vector<16xf32>,
      %broadcast_in_dim3A_47 = arith.constant 0 : i32
      %broadcast_in_dim3A_48 = vector.broadcast %broadcast_in_dim3A_47 : i32 to vector<16x1xi32>
      %gather3A = vector.shape_cast %broadcast_in_dim3A_48 : vector<16x1xi32> to vector<16xi32>
      %gather3A_49 = tpu.dynamic_gather %get3A_46[%gather3A] in [0] : vector<16xf32>, vector<16xi32> -> vector<16xf32>
      %broadcast_in_dim3A_50 = arith.constant 1 : i32
      %broadcast_in_dim3A_51 = vector.broadcast %broadcast_in_dim3A_50 : i32 to vector<16x1xi32>
      %gather3A_52 = vector.shape_cast %broadcast_in_dim3A_51 : vector<16x1xi32> to vector<16xi32>
      %gather3A_53 = tpu.dynamic_gather %get3A_46[%gather3A_52] in [0] : vector<16xf32>, vector<16xi32> -> vector<16xf32>
      %broadcast_in_dim3A_54 = arith.constant 2 : i32
      %broadcast_in_dim3A_55 = vector.broadcast %broadcast_in_dim3A_54 : i32 to vector<16x1xi32>
      %gather3A_56 = vector.shape_cast %broadcast_in_dim3A_55 : vector<16x1xi32> to vector<16xi32>
      %gather3A_57 = tpu.dynamic_gather %get3A_46[%gather3A_56] in [0] : vector<16xf32>, vector<16xi32> -> vector<16xf32>
      %broadcast_in_dim3A_58 = arith.constant 3 : i32
      %broadcast_in_dim3A_59 = vector.broadcast %broadcast_in_dim3A_58 : i32 to vector<16x1xi32>
      %gather3A_60 = vector.shape_cast %broadcast_in_dim3A_59 : vector<16x1xi32> to vector<16xi32>
      %gather3A_61 = tpu.dynamic_gather %get3A_46[%gather3A_60] in [0] : vector<16xf32>, vector<16xi32> -> vector<16xf32>
      %broadcast_in_dim3A_62 = arith.constant 4 : i32
      %broadcast_in_dim3A_63 = vector.broadcast %broadcast_in_dim3A_62 : i32 to vector<16x1xi32>
      %gather3A_64 = vector.shape_cast %broadcast_in_dim3A_63 : vector<16x1xi32> to vector<16xi32>
      %gather3A_65 = tpu.dynamic_gather %get3A_46[%gather3A_64] in [0] : vector<16xf32>, vector<16xi32> -> vector<16xf32>
      %broadcast_in_dim3A_66 = arith.constant 5 : i32
      %broadcast_in_dim3A_67 = vector.broadcast %broadcast_in_dim3A_66 : i32 to vector<16x1xi32>
      %gather3A_68 = vector.shape_cast %broadcast_in_dim3A_67 : vector<16x1xi32> to vector<16xi32>
      %gather3A_69 = tpu.dynamic_gather %get3A_46[%gather3A_68] in [0] : vector<16xf32>, vector<16xi32> -> vector<16xf32>
      %broadcast_in_dim3A_70 = arith.constant 6 : i32
      %broadcast_in_dim3A_71 = vector.broadcast %broadcast_in_dim3A_70 : i32 to vector<16x1xi32>
      %gather3A_72 = vector.shape_cast %broadcast_in_dim3A_71 : vector<16x1xi32> to vector<16xi32>
      %gather3A_73 = tpu.dynamic_gather %get3A_46[%gather3A_72] in [0] : vector<16xf32>, vector<16xi32> -> vector<16xf32>
      %broadcast_in_dim3A_74 = arith.constant 7 : i32
      %broadcast_in_dim3A_75 = vector.broadcast %broadcast_in_dim3A_74 : i32 to vector<16x1xi32>
      %gather3A_76 = vector.shape_cast %broadcast_in_dim3A_75 : vector<16x1xi32> to vector<16xi32>
      %gather3A_77 = tpu.dynamic_gather %get3A_46[%gather3A_76] in [0] : vector<16xf32>, vector<16xi32> -> vector<16xf32>
      %broadcast_in_dim3A_78 = arith.constant 8 : i32
      %broadcast_in_dim3A_79 = vector.broadcast %broadcast_in_dim3A_78 : i32 to vector<16x1xi32>
      %gather3A_80 = vector.shape_cast %broadcast_in_dim3A_79 : vector<16x1xi32> to vector<16xi32>
      %gather3A_81 = tpu.dynamic_gather %get3A_46[%gather3A_80] in [0] : vector<16xf32>, vector<16xi32> -> vector<16xf32>
      %broadcast_in_dim3A_82 = arith.constant 9 : i32
      %broadcast_in_dim3A_83 = vector.broadcast %broadcast_in_dim3A_82 : i32 to vector<16x1xi32>
      %gather3A_84 = vector.shape_cast %broadcast_in_dim3A_83 : vector<16x1xi32> to vector<16xi32>
      %gather3A_85 = tpu.dynamic_gather %get3A_46[%gather3A_84] in [0] : vector<16xf32>, vector<16xi32> -> vector<16xf32>
      %broadcast_in_dim3A_86 = arith.constant 10 : i32
      %broadcast_in_dim3A_87 = vector.broadcast %broadcast_in_dim3A_86 : i32 to vector<16x1xi32>
      %gather3A_88 = vector.shape_cast %broadcast_in_dim3A_87 : vector<16x1xi32> to vector<16xi32>
      %gather3A_89 = tpu.dynamic_gather %get3A_46[%gather3A_88] in [0] : vector<16xf32>, vector<16xi32> -> vector<16xf32>
      %broadcast_in_dim3A_90 = arith.constant 11 : i32
      %broadcast_in_dim3A_91 = vector.broadcast %broadcast_in_dim3A_90 : i32 to vector<16x1xi32>
      %gather3A_92 = vector.shape_cast %broadcast_in_dim3A_91 : vector<16x1xi32> to vector<16xi32>
      %gather3A_93 = tpu.dynamic_gather %get3A_46[%gather3A_92] in [0] : vector<16xf32>, vector<16xi32> -> vector<16xf32>
      %broadcast_in_dim3A_94 = arith.constant 12 : i32
      %broadcast_in_dim3A_95 = vector.broadcast %broadcast_in_dim3A_94 : i32 to vector<16x1xi32>
      %gather3A_96 = vector.shape_cast %broadcast_in_dim3A_95 : vector<16x1xi32> to vector<16xi32>
      %gather3A_97 = tpu.dynamic_gather %get3A_46[%gather3A_96] in [0] : vector<16xf32>, vector<16xi32> -> vector<16xf32>
      %broadcast_in_dim3A_98 = arith.constant 13 : i32
      %broadcast_in_dim3A_99 = vector.broadcast %broadcast_in_dim3A_98 : i32 to vector<16x1xi32>
      %gather3A_100 = vector.shape_cast %broadcast_in_dim3A_99 : vector<16x1xi32> to vector<16xi32>
      %gather3A_101 = tpu.dynamic_gather %get3A_46[%gather3A_100] in [0] : vector<16xf32>, vector<16xi32> -> vector<16xf32>
      %broadcast_in_dim3A_102 = arith.constant 14 : i32
      %broadcast_in_dim3A_103 = vector.broadcast %broadcast_in_dim3A_102 : i32 to vector<16x1xi32>
      %gather3A_104 = vector.shape_cast %broadcast_in_dim3A_103 : vector<16x1xi32> to vector<16xi32>
      %gather3A_105 = tpu.dynamic_gather %get3A_46[%gather3A_104] in [0] : vector<16xf32>, vector<16xi32> -> vector<16xf32>
      %broadcast_in_dim3A_106 = arith.constant 15 : i32
      %broadcast_in_dim3A_107 = vector.broadcast %broadcast_in_dim3A_106 : i32 to vector<16x1xi32>
      %gather3A_108 = vector.shape_cast %broadcast_in_dim3A_107 : vector<16x1xi32> to vector<16xi32>
      %gather3A_109 = tpu.dynamic_gather %get3A_46[%gather3A_108] in [0] : vector<16xf32>, vector<16xi32> -> vector<16xf32>
      %scan3A_110 = arith.constant 0 : i32
      %scan3A_111 = arith.constant 512 : i32
      %scan3A_112 = arith.addi %scan3A_110, %scan3A_111 : i32
      %scan3A_113 = arith.constant 1 : i32
      %scan3A_114:16 = scf.for %scan3A_241 = %scan3A_110 to %scan3A_112 step %scan3A_113 iter_args(%scan3A_242 = %broadcast_in_dim3A_11, %scan3A_243 = %broadcast_in_dim3A_11, %scan3A_244 = %broadcast_in_dim3A_11, %scan3A_245 = %broadcast_in_dim3A_11, %scan3A_246 = %broadcast_in_dim3A_11, %scan3A_247 = %broadcast_in_dim3A_11, %scan3A_248 = %broadcast_in_dim3A_11, %scan3A_249 = %broadcast_in_dim3A_11, %scan3A_250 = %broadcast_in_dim3A_11, %scan3A_251 = %broadcast_in_dim3A_11, %scan3A_252 = %broadcast_in_dim3A_11, %scan3A_253 = %broadcast_in_dim3A_11, %scan3A_254 = %broadcast_in_dim3A_11, %scan3A_255 = %broadcast_in_dim3A_11, %scan3A_256 = %broadcast_in_dim3A_11, %scan3A_257 = %broadcast_in_dim3A_11) -> (vector<16xf32>, vector<16xf32>, vector<16xf32>, vector<16xf32>, vector<16xf32>, vector<16xf32>, vector<16xf32>, vector<16xf32>, vector<16xf32>, vector<16xf32>, vector<16xf32>, vector<16xf32>, vector<16xf32>, vector<16xf32>, vector<16xf32>, vector<16xf32>)  : i32 {
        %mul3A_258 = arith.constant 16 : i32
        %mul3A_259 = arith.muli %scan3A_241, %mul3A_258 : i32
        %add3A_260 = arith.constant 0 : i32
        %add3A_261 = arith.addi %add3A_260, %mul3A_259 : i32
        %get3A_262 = arith.index_cast %add3A_261 : i32 to index
        %get3A_263 = tpu.vector_load %arg7[%get3A_262] {strides = array<i32>} : memref<24576xf32, #tpu.memory_space<vmem>>, vector<16xf32>,
        %sub3A = arith.subf %get3A_263, %gather3A_49 : vector<16xf32>
        %abs3A = math.absf %sub3A : vector<16xf32>
        %sub3A_264 = arith.subf %get3A_263, %gather3A_53 : vector<16xf32>
        %abs3A_265 = math.absf %sub3A_264 : vector<16xf32>
        %sub3A_266 = arith.subf %get3A_263, %gather3A_57 : vector<16xf32>
        %abs3A_267 = math.absf %sub3A_266 : vector<16xf32>
        %sub3A_268 = arith.subf %get3A_263, %gather3A_61 : vector<16xf32>
        %abs3A_269 = math.absf %sub3A_268 : vector<16xf32>
        %sub3A_270 = arith.subf %get3A_263, %gather3A_65 : vector<16xf32>
        %abs3A_271 = math.absf %sub3A_270 : vector<16xf32>
        %sub3A_272 = arith.subf %get3A_263, %gather3A_69 : vector<16xf32>
        %abs3A_273 = math.absf %sub3A_272 : vector<16xf32>
        %sub3A_274 = arith.subf %get3A_263, %gather3A_73 : vector<16xf32>
        %abs3A_275 = math.absf %sub3A_274 : vector<16xf32>
        %sub3A_276 = arith.subf %get3A_263, %gather3A_77 : vector<16xf32>
        %abs3A_277 = math.absf %sub3A_276 : vector<16xf32>
        %sub3A_278 = arith.subf %get3A_263, %gather3A_81 : vector<16xf32>
        %abs3A_279 = math.absf %sub3A_278 : vector<16xf32>
        %sub3A_280 = arith.subf %get3A_263, %gather3A_85 : vector<16xf32>
        %abs3A_281 = math.absf %sub3A_280 : vector<16xf32>
        %sub3A_282 = arith.subf %get3A_263, %gather3A_89 : vector<16xf32>
        %abs3A_283 = math.absf %sub3A_282 : vector<16xf32>
        %sub3A_284 = arith.subf %get3A_263, %gather3A_93 : vector<16xf32>
        %abs3A_285 = math.absf %sub3A_284 : vector<16xf32>
        %sub3A_286 = arith.subf %get3A_263, %gather3A_97 : vector<16xf32>
        %abs3A_287 = math.absf %sub3A_286 : vector<16xf32>
        %sub3A_288 = arith.subf %get3A_263, %gather3A_101 : vector<16xf32>
        %abs3A_289 = math.absf %sub3A_288 : vector<16xf32>
        %sub3A_290 = arith.subf %get3A_263, %gather3A_105 : vector<16xf32>
        %abs3A_291 = math.absf %sub3A_290 : vector<16xf32>
        %sub3A_292 = arith.subf %get3A_263, %gather3A_109 : vector<16xf32>
        %abs3A_293 = math.absf %sub3A_292 : vector<16xf32>
        %min3A = arith.minimumf %abs3A, %abs3A_265 : vector<16xf32>
        %min3A_294 = arith.minimumf %abs3A_267, %abs3A_269 : vector<16xf32>
        %min3A_295 = arith.minimumf %abs3A_271, %abs3A_273 : vector<16xf32>
        %min3A_296 = arith.minimumf %abs3A_275, %abs3A_277 : vector<16xf32>
        %min3A_297 = arith.minimumf %abs3A_279, %abs3A_281 : vector<16xf32>
        %min3A_298 = arith.minimumf %abs3A_283, %abs3A_285 : vector<16xf32>
        %min3A_299 = arith.minimumf %abs3A_287, %abs3A_289 : vector<16xf32>
        %min3A_300 = arith.minimumf %abs3A_291, %abs3A_293 : vector<16xf32>
        %min3A_301 = arith.minimumf %min3A, %min3A_294 : vector<16xf32>
        %min3A_302 = arith.minimumf %min3A_295, %min3A_296 : vector<16xf32>
        %min3A_303 = arith.minimumf %min3A_297, %min3A_298 : vector<16xf32>
        %min3A_304 = arith.minimumf %min3A_299, %min3A_300 : vector<16xf32>
        %min3A_305 = arith.minimumf %min3A_301, %min3A_302 : vector<16xf32>
        %min3A_306 = arith.minimumf %min3A_303, %min3A_304 : vector<16xf32>
        %min3A_307 = arith.minimumf %min3A_305, %min3A_306 : vector<16xf32>
        %mul3A_308 = arith.constant 16 : i32
        %mul3A_309 = arith.muli %scan3A_241, %mul3A_308 : i32
        %add3A_310 = arith.constant 0 : i32
        %add3A_311 = arith.addi %add3A_310, %mul3A_309 : i32
        %get3A_312 = arith.index_cast %add3A_311 : i32 to index
        %get3A_313 = tpu.vector_load %arg8[%get3A_312] {strides = array<i32>} : memref<24576xf32, #tpu.memory_space<vmem>>, vector<16xf32>,
        %min3A_314 = arith.minimumf %get3A_313, %min3A_307 : vector<16xf32>
        %swap3A_315 = arith.index_cast %add3A_311 : i32 to index
        %swap3A_316 = tpu.vector_load %arg8[%swap3A_315] {strides = array<i32>} : memref<24576xf32, #tpu.memory_space<vmem>>, vector<16xf32>,
        tpu.vector_store %arg8[%swap3A_315], %min3A_314 {strides = array<i32>} : memref<24576xf32, #tpu.memory_space<vmem>>, vector<16xf32>,
        %min3A_317 = arith.minimumf %scan3A_242, %abs3A : vector<16xf32>
        %min3A_318 = arith.minimumf %scan3A_243, %abs3A_265 : vector<16xf32>
        %min3A_319 = arith.minimumf %scan3A_244, %abs3A_267 : vector<16xf32>
        %min3A_320 = arith.minimumf %scan3A_245, %abs3A_269 : vector<16xf32>
        %min3A_321 = arith.minimumf %scan3A_246, %abs3A_271 : vector<16xf32>
        %min3A_322 = arith.minimumf %scan3A_247, %abs3A_273 : vector<16xf32>
        %min3A_323 = arith.minimumf %scan3A_248, %abs3A_275 : vector<16xf32>
        %min3A_324 = arith.minimumf %scan3A_249, %abs3A_277 : vector<16xf32>
        %min3A_325 = arith.minimumf %scan3A_250, %abs3A_279 : vector<16xf32>
        %min3A_326 = arith.minimumf %scan3A_251, %abs3A_281 : vector<16xf32>
        %min3A_327 = arith.minimumf %scan3A_252, %abs3A_283 : vector<16xf32>
        %min3A_328 = arith.minimumf %scan3A_253, %abs3A_285 : vector<16xf32>
        %min3A_329 = arith.minimumf %scan3A_254, %abs3A_287 : vector<16xf32>
        %min3A_330 = arith.minimumf %scan3A_255, %abs3A_289 : vector<16xf32>
        %min3A_331 = arith.minimumf %scan3A_256, %abs3A_291 : vector<16xf32>
        %min3A_332 = arith.minimumf %scan3A_257, %abs3A_293 : vector<16xf32>
        scf.yield %min3A_317, %min3A_318, %min3A_319, %min3A_320, %min3A_321, %min3A_322, %min3A_323, %min3A_324, %min3A_325, %min3A_326, %min3A_327, %min3A_328, %min3A_329, %min3A_330, %min3A_331, %min3A_332 : vector<16xf32>, vector<16xf32>, vector<16xf32>, vector<16xf32>, vector<16xf32>, vector<16xf32>, vector<16xf32>, vector<16xf32>, vector<16xf32>, vector<16xf32>, vector<16xf32>, vector<16xf32>, vector<16xf32>, vector<16xf32>, vector<16xf32>, vector<16xf32>
      }
      %scan3A_115 = arith.constant 512 : i32
      %masked_sort3A = arith.constant dense<true> : vector<16xi1>
      %masked_sort3A_116, %masked_sort3A_117, %masked_sort3A_118 = tpu.sort %scan3A_114#0, %scan3A_114#0 masked %masked_sort3A : (vector<16xf32>, vector<16xf32>, vector<16xi1>) -> (vector<16xi1>, vector<16xf32>, vector<16xf32>)
      %jit3A = arith.constant 0.000000e+00 : f32
      %broadcast_in_dim3A_119 = vector.broadcast %jit3A : f32 to vector<16xf32>
      %select_n3A = arith.select %eq3A_18, %masked_sort3A_117, %broadcast_in_dim3A_119 : vector<16xi1>, vector<16xf32>
      %add3A_120 = arith.addf %scan3A_41, %select_n3A : vector<16xf32>
      %masked_sort3A_121 = arith.constant dense<true> : vector<16xi1>
      %masked_sort3A_122, %masked_sort3A_123, %masked_sort3A_124 = tpu.sort %scan3A_114#1, %scan3A_114#1 masked %masked_sort3A_121 : (vector<16xf32>, vector<16xf32>, vector<16xi1>) -> (vector<16xi1>, vector<16xf32>, vector<16xf32>)
      %jit3A_125 = arith.constant 0.000000e+00 : f32
      %broadcast_in_dim3A_126 = vector.broadcast %jit3A_125 : f32 to vector<16xf32>
      %select_n3A_127 = arith.select %eq3A_18, %masked_sort3A_123, %broadcast_in_dim3A_126 : vector<16xi1>, vector<16xf32>
      %add3A_128 = arith.addf %add3A_120, %select_n3A_127 : vector<16xf32>
      %masked_sort3A_129 = arith.constant dense<true> : vector<16xi1>
      %masked_sort3A_130, %masked_sort3A_131, %masked_sort3A_132 = tpu.sort %scan3A_114#2, %scan3A_114#2 masked %masked_sort3A_129 : (vector<16xf32>, vector<16xf32>, vector<16xi1>) -> (vector<16xi1>, vector<16xf32>, vector<16xf32>)
      %jit3A_133 = arith.constant 0.000000e+00 : f32
      %broadcast_in_dim3A_134 = vector.broadcast %jit3A_133 : f32 to vector<16xf32>
      %select_n3A_135 = arith.select %eq3A_18, %masked_sort3A_131, %broadcast_in_dim3A_134 : vector<16xi1>, vector<16xf32>
      %add3A_136 = arith.addf %add3A_128, %select_n3A_135 : vector<16xf32>
      %masked_sort3A_137 = arith.constant dense<true> : vector<16xi1>
      %masked_sort3A_138, %masked_sort3A_139, %masked_sort3A_140 = tpu.sort %scan3A_114#3, %scan3A_114#3 masked %masked_sort3A_137 : (vector<16xf32>, vector<16xf32>, vector<16xi1>) -> (vector<16xi1>, vector<16xf32>, vector<16xf32>)
      %jit3A_141 = arith.constant 0.000000e+00 : f32
      %broadcast_in_dim3A_142 = vector.broadcast %jit3A_141 : f32 to vector<16xf32>
      %select_n3A_143 = arith.select %eq3A_18, %masked_sort3A_139, %broadcast_in_dim3A_142 : vector<16xi1>, vector<16xf32>
      %add3A_144 = arith.addf %add3A_136, %select_n3A_143 : vector<16xf32>
      %masked_sort3A_145 = arith.constant dense<true> : vector<16xi1>
      %masked_sort3A_146, %masked_sort3A_147, %masked_sort3A_148 = tpu.sort %scan3A_114#4, %scan3A_114#4 masked %masked_sort3A_145 : (vector<16xf32>, vector<16xf32>, vector<16xi1>) -> (vector<16xi1>, vector<16xf32>, vector<16xf32>)
      %jit3A_149 = arith.constant 0.000000e+00 : f32
      %broadcast_in_dim3A_150 = vector.broadcast %jit3A_149 : f32 to vector<16xf32>
      %select_n3A_151 = arith.select %eq3A_18, %masked_sort3A_147, %broadcast_in_dim3A_150 : vector<16xi1>, vector<16xf32>
      %add3A_152 = arith.addf %add3A_144, %select_n3A_151 : vector<16xf32>
      %masked_sort3A_153 = arith.constant dense<true> : vector<16xi1>
      %masked_sort3A_154, %masked_sort3A_155, %masked_sort3A_156 = tpu.sort %scan3A_114#5, %scan3A_114#5 masked %masked_sort3A_153 : (vector<16xf32>, vector<16xf32>, vector<16xi1>) -> (vector<16xi1>, vector<16xf32>, vector<16xf32>)
      %jit3A_157 = arith.constant 0.000000e+00 : f32
      %broadcast_in_dim3A_158 = vector.broadcast %jit3A_157 : f32 to vector<16xf32>
      %select_n3A_159 = arith.select %eq3A_18, %masked_sort3A_155, %broadcast_in_dim3A_158 : vector<16xi1>, vector<16xf32>
      %add3A_160 = arith.addf %add3A_152, %select_n3A_159 : vector<16xf32>
      %masked_sort3A_161 = arith.constant dense<true> : vector<16xi1>
      %masked_sort3A_162, %masked_sort3A_163, %masked_sort3A_164 = tpu.sort %scan3A_114#6, %scan3A_114#6 masked %masked_sort3A_161 : (vector<16xf32>, vector<16xf32>, vector<16xi1>) -> (vector<16xi1>, vector<16xf32>, vector<16xf32>)
      %jit3A_165 = arith.constant 0.000000e+00 : f32
      %broadcast_in_dim3A_166 = vector.broadcast %jit3A_165 : f32 to vector<16xf32>
      %select_n3A_167 = arith.select %eq3A_18, %masked_sort3A_163, %broadcast_in_dim3A_166 : vector<16xi1>, vector<16xf32>
      %add3A_168 = arith.addf %add3A_160, %select_n3A_167 : vector<16xf32>
      %masked_sort3A_169 = arith.constant dense<true> : vector<16xi1>
      %masked_sort3A_170, %masked_sort3A_171, %masked_sort3A_172 = tpu.sort %scan3A_114#7, %scan3A_114#7 masked %masked_sort3A_169 : (vector<16xf32>, vector<16xf32>, vector<16xi1>) -> (vector<16xi1>, vector<16xf32>, vector<16xf32>)
      %jit3A_173 = arith.constant 0.000000e+00 : f32
      %broadcast_in_dim3A_174 = vector.broadcast %jit3A_173 : f32 to vector<16xf32>
      %select_n3A_175 = arith.select %eq3A_18, %masked_sort3A_171, %broadcast_in_dim3A_174 : vector<16xi1>, vector<16xf32>
      %add3A_176 = arith.addf %add3A_168, %select_n3A_175 : vector<16xf32>
      %masked_sort3A_177 = arith.constant dense<true> : vector<16xi1>
      %masked_sort3A_178, %masked_sort3A_179, %masked_sort3A_180 = tpu.sort %scan3A_114#8, %scan3A_114#8 masked %masked_sort3A_177 : (vector<16xf32>, vector<16xf32>, vector<16xi1>) -> (vector<16xi1>, vector<16xf32>, vector<16xf32>)
      %jit3A_181 = arith.constant 0.000000e+00 : f32
      %broadcast_in_dim3A_182 = vector.broadcast %jit3A_181 : f32 to vector<16xf32>
      %select_n3A_183 = arith.select %eq3A_18, %masked_sort3A_179, %broadcast_in_dim3A_182 : vector<16xi1>, vector<16xf32>
      %add3A_184 = arith.addf %add3A_176, %select_n3A_183 : vector<16xf32>
      %masked_sort3A_185 = arith.constant dense<true> : vector<16xi1>
      %masked_sort3A_186, %masked_sort3A_187, %masked_sort3A_188 = tpu.sort %scan3A_114#9, %scan3A_114#9 masked %masked_sort3A_185 : (vector<16xf32>, vector<16xf32>, vector<16xi1>) -> (vector<16xi1>, vector<16xf32>, vector<16xf32>)
      %jit3A_189 = arith.constant 0.000000e+00 : f32
      %broadcast_in_dim3A_190 = vector.broadcast %jit3A_189 : f32 to vector<16xf32>
      %select_n3A_191 = arith.select %eq3A_18, %masked_sort3A_187, %broadcast_in_dim3A_190 : vector<16xi1>, vector<16xf32>
      %add3A_192 = arith.addf %add3A_184, %select_n3A_191 : vector<16xf32>
      %masked_sort3A_193 = arith.constant dense<true> : vector<16xi1>
      %masked_sort3A_194, %masked_sort3A_195, %masked_sort3A_196 = tpu.sort %scan3A_114#10, %scan3A_114#10 masked %masked_sort3A_193 : (vector<16xf32>, vector<16xf32>, vector<16xi1>) -> (vector<16xi1>, vector<16xf32>, vector<16xf32>)
      %jit3A_197 = arith.constant 0.000000e+00 : f32
      %broadcast_in_dim3A_198 = vector.broadcast %jit3A_197 : f32 to vector<16xf32>
      %select_n3A_199 = arith.select %eq3A_18, %masked_sort3A_195, %broadcast_in_dim3A_198 : vector<16xi1>, vector<16xf32>
      %add3A_200 = arith.addf %add3A_192, %select_n3A_199 : vector<16xf32>
      %masked_sort3A_201 = arith.constant dense<true> : vector<16xi1>
      %masked_sort3A_202, %masked_sort3A_203, %masked_sort3A_204 = tpu.sort %scan3A_114#11, %scan3A_114#11 masked %masked_sort3A_201 : (vector<16xf32>, vector<16xf32>, vector<16xi1>) -> (vector<16xi1>, vector<16xf32>, vector<16xf32>)
      %jit3A_205 = arith.constant 0.000000e+00 : f32
      %broadcast_in_dim3A_206 = vector.broadcast %jit3A_205 : f32 to vector<16xf32>
      %select_n3A_207 = arith.select %eq3A_18, %masked_sort3A_203, %broadcast_in_dim3A_206 : vector<16xi1>, vector<16xf32>
      %add3A_208 = arith.addf %add3A_200, %select_n3A_207 : vector<16xf32>
      %masked_sort3A_209 = arith.constant dense<true> : vector<16xi1>
      %masked_sort3A_210, %masked_sort3A_211, %masked_sort3A_212 = tpu.sort %scan3A_114#12, %scan3A_114#12 masked %masked_sort3A_209 : (vector<16xf32>, vector<16xf32>, vector<16xi1>) -> (vector<16xi1>, vector<16xf32>, vector<16xf32>)
      %jit3A_213 = arith.constant 0.000000e+00 : f32
      %broadcast_in_dim3A_214 = vector.broadcast %jit3A_213 : f32 to vector<16xf32>
      %select_n3A_215 = arith.select %eq3A_18, %masked_sort3A_211, %broadcast_in_dim3A_214 : vector<16xi1>, vector<16xf32>
      %add3A_216 = arith.addf %add3A_208, %select_n3A_215 : vector<16xf32>
      %masked_sort3A_217 = arith.constant dense<true> : vector<16xi1>
      %masked_sort3A_218, %masked_sort3A_219, %masked_sort3A_220 = tpu.sort %scan3A_114#13, %scan3A_114#13 masked %masked_sort3A_217 : (vector<16xf32>, vector<16xf32>, vector<16xi1>) -> (vector<16xi1>, vector<16xf32>, vector<16xf32>)
      %jit3A_221 = arith.constant 0.000000e+00 : f32
      %broadcast_in_dim3A_222 = vector.broadcast %jit3A_221 : f32 to vector<16xf32>
      %select_n3A_223 = arith.select %eq3A_18, %masked_sort3A_219, %broadcast_in_dim3A_222 : vector<16xi1>, vector<16xf32>
      %add3A_224 = arith.addf %add3A_216, %select_n3A_223 : vector<16xf32>
      %masked_sort3A_225 = arith.constant dense<true> : vector<16xi1>
      %masked_sort3A_226, %masked_sort3A_227, %masked_sort3A_228 = tpu.sort %scan3A_114#14, %scan3A_114#14 masked %masked_sort3A_225 : (vector<16xf32>, vector<16xf32>, vector<16xi1>) -> (vector<16xi1>, vector<16xf32>, vector<16xf32>)
      %jit3A_229 = arith.constant 0.000000e+00 : f32
      %broadcast_in_dim3A_230 = vector.broadcast %jit3A_229 : f32 to vector<16xf32>
      %select_n3A_231 = arith.select %eq3A_18, %masked_sort3A_227, %broadcast_in_dim3A_230 : vector<16xi1>, vector<16xf32>
      %add3A_232 = arith.addf %add3A_224, %select_n3A_231 : vector<16xf32>
      %masked_sort3A_233 = arith.constant dense<true> : vector<16xi1>
      %masked_sort3A_234, %masked_sort3A_235, %masked_sort3A_236 = tpu.sort %scan3A_114#15, %scan3A_114#15 masked %masked_sort3A_233 : (vector<16xf32>, vector<16xf32>, vector<16xi1>) -> (vector<16xi1>, vector<16xf32>, vector<16xf32>)
      %jit3A_237 = arith.constant 0.000000e+00 : f32
      %broadcast_in_dim3A_238 = vector.broadcast %jit3A_237 : f32 to vector<16xf32>
      %select_n3A_239 = arith.select %eq3A_18, %masked_sort3A_235, %broadcast_in_dim3A_238 : vector<16xi1>, vector<16xf32>
      %add3A_240 = arith.addf %add3A_232, %select_n3A_239 : vector<16xf32>
      scf.yield %add3A_240 : vector<16xf32>
    }
    %scan3A_26 = arith.constant 5 : i32
    %scan3A_27 = arith.constant 0 : i32
    %scan3A_28 = arith.constant 5 : i32
    %scan3A_29 = arith.addi %scan3A_27, %scan3A_28 : i32
    %scan3A_30 = arith.constant 1 : i32
    %scan3A_31 = scf.for %scan3A_40 = %scan3A_27 to %scan3A_29 step %scan3A_30 iter_args(%scan3A_41 = %scan3A_25) -> (vector<16xf32>)  : i32 {
      %mul3A_42 = arith.constant 16 : i32
      %mul3A_43 = arith.muli %scan3A_40, %mul3A_42 : i32
      %add3A_44 = arith.constant 80 : i32
      %add3A_45 = arith.addi %add3A_44, %mul3A_43 : i32
      %get3A = arith.index_cast %add3A_45 : i32 to index
      %get3A_46 = tpu.vector_load %arg6[%get3A] {strides = array<i32>} : memref<240xf32, #tpu.memory_space<vmem>>, vector<16xf32>,
      %broadcast_in_dim3A_47 = arith.constant 0 : i32
      %broadcast_in_dim3A_48 = vector.broadcast %broadcast_in_dim3A_47 : i32 to vector<16x1xi32>
      %gather3A = vector.shape_cast %broadcast_in_dim3A_48 : vector<16x1xi32> to vector<16xi32>
      %gather3A_49 = tpu.dynamic_gather %get3A_46[%gather3A] in [0] : vector<16xf32>, vector<16xi32> -> vector<16xf32>
      %broadcast_in_dim3A_50 = arith.constant 1 : i32
      %broadcast_in_dim3A_51 = vector.broadcast %broadcast_in_dim3A_50 : i32 to vector<16x1xi32>
      %gather3A_52 = vector.shape_cast %broadcast_in_dim3A_51 : vector<16x1xi32> to vector<16xi32>
      %gather3A_53 = tpu.dynamic_gather %get3A_46[%gather3A_52] in [0] : vector<16xf32>, vector<16xi32> -> vector<16xf32>
      %broadcast_in_dim3A_54 = arith.constant 2 : i32
      %broadcast_in_dim3A_55 = vector.broadcast %broadcast_in_dim3A_54 : i32 to vector<16x1xi32>
      %gather3A_56 = vector.shape_cast %broadcast_in_dim3A_55 : vector<16x1xi32> to vector<16xi32>
      %gather3A_57 = tpu.dynamic_gather %get3A_46[%gather3A_56] in [0] : vector<16xf32>, vector<16xi32> -> vector<16xf32>
      %broadcast_in_dim3A_58 = arith.constant 3 : i32
      %broadcast_in_dim3A_59 = vector.broadcast %broadcast_in_dim3A_58 : i32 to vector<16x1xi32>
      %gather3A_60 = vector.shape_cast %broadcast_in_dim3A_59 : vector<16x1xi32> to vector<16xi32>
      %gather3A_61 = tpu.dynamic_gather %get3A_46[%gather3A_60] in [0] : vector<16xf32>, vector<16xi32> -> vector<16xf32>
      %broadcast_in_dim3A_62 = arith.constant 4 : i32
      %broadcast_in_dim3A_63 = vector.broadcast %broadcast_in_dim3A_62 : i32 to vector<16x1xi32>
      %gather3A_64 = vector.shape_cast %broadcast_in_dim3A_63 : vector<16x1xi32> to vector<16xi32>
      %gather3A_65 = tpu.dynamic_gather %get3A_46[%gather3A_64] in [0] : vector<16xf32>, vector<16xi32> -> vector<16xf32>
      %broadcast_in_dim3A_66 = arith.constant 5 : i32
      %broadcast_in_dim3A_67 = vector.broadcast %broadcast_in_dim3A_66 : i32 to vector<16x1xi32>
      %gather3A_68 = vector.shape_cast %broadcast_in_dim3A_67 : vector<16x1xi32> to vector<16xi32>
      %gather3A_69 = tpu.dynamic_gather %get3A_46[%gather3A_68] in [0] : vector<16xf32>, vector<16xi32> -> vector<16xf32>
      %broadcast_in_dim3A_70 = arith.constant 6 : i32
      %broadcast_in_dim3A_71 = vector.broadcast %broadcast_in_dim3A_70 : i32 to vector<16x1xi32>
      %gather3A_72 = vector.shape_cast %broadcast_in_dim3A_71 : vector<16x1xi32> to vector<16xi32>
      %gather3A_73 = tpu.dynamic_gather %get3A_46[%gather3A_72] in [0] : vector<16xf32>, vector<16xi32> -> vector<16xf32>
      %broadcast_in_dim3A_74 = arith.constant 7 : i32
      %broadcast_in_dim3A_75 = vector.broadcast %broadcast_in_dim3A_74 : i32 to vector<16x1xi32>
      %gather3A_76 = vector.shape_cast %broadcast_in_dim3A_75 : vector<16x1xi32> to vector<16xi32>
      %gather3A_77 = tpu.dynamic_gather %get3A_46[%gather3A_76] in [0] : vector<16xf32>, vector<16xi32> -> vector<16xf32>
      %broadcast_in_dim3A_78 = arith.constant 8 : i32
      %broadcast_in_dim3A_79 = vector.broadcast %broadcast_in_dim3A_78 : i32 to vector<16x1xi32>
      %gather3A_80 = vector.shape_cast %broadcast_in_dim3A_79 : vector<16x1xi32> to vector<16xi32>
      %gather3A_81 = tpu.dynamic_gather %get3A_46[%gather3A_80] in [0] : vector<16xf32>, vector<16xi32> -> vector<16xf32>
      %broadcast_in_dim3A_82 = arith.constant 9 : i32
      %broadcast_in_dim3A_83 = vector.broadcast %broadcast_in_dim3A_82 : i32 to vector<16x1xi32>
      %gather3A_84 = vector.shape_cast %broadcast_in_dim3A_83 : vector<16x1xi32> to vector<16xi32>
      %gather3A_85 = tpu.dynamic_gather %get3A_46[%gather3A_84] in [0] : vector<16xf32>, vector<16xi32> -> vector<16xf32>
      %broadcast_in_dim3A_86 = arith.constant 10 : i32
      %broadcast_in_dim3A_87 = vector.broadcast %broadcast_in_dim3A_86 : i32 to vector<16x1xi32>
      %gather3A_88 = vector.shape_cast %broadcast_in_dim3A_87 : vector<16x1xi32> to vector<16xi32>
      %gather3A_89 = tpu.dynamic_gather %get3A_46[%gather3A_88] in [0] : vector<16xf32>, vector<16xi32> -> vector<16xf32>
      %broadcast_in_dim3A_90 = arith.constant 11 : i32
      %broadcast_in_dim3A_91 = vector.broadcast %broadcast_in_dim3A_90 : i32 to vector<16x1xi32>
      %gather3A_92 = vector.shape_cast %broadcast_in_dim3A_91 : vector<16x1xi32> to vector<16xi32>
      %gather3A_93 = tpu.dynamic_gather %get3A_46[%gather3A_92] in [0] : vector<16xf32>, vector<16xi32> -> vector<16xf32>
      %broadcast_in_dim3A_94 = arith.constant 12 : i32
      %broadcast_in_dim3A_95 = vector.broadcast %broadcast_in_dim3A_94 : i32 to vector<16x1xi32>
      %gather3A_96 = vector.shape_cast %broadcast_in_dim3A_95 : vector<16x1xi32> to vector<16xi32>
      %gather3A_97 = tpu.dynamic_gather %get3A_46[%gather3A_96] in [0] : vector<16xf32>, vector<16xi32> -> vector<16xf32>
      %broadcast_in_dim3A_98 = arith.constant 13 : i32
      %broadcast_in_dim3A_99 = vector.broadcast %broadcast_in_dim3A_98 : i32 to vector<16x1xi32>
      %gather3A_100 = vector.shape_cast %broadcast_in_dim3A_99 : vector<16x1xi32> to vector<16xi32>
      %gather3A_101 = tpu.dynamic_gather %get3A_46[%gather3A_100] in [0] : vector<16xf32>, vector<16xi32> -> vector<16xf32>
      %broadcast_in_dim3A_102 = arith.constant 14 : i32
      %broadcast_in_dim3A_103 = vector.broadcast %broadcast_in_dim3A_102 : i32 to vector<16x1xi32>
      %gather3A_104 = vector.shape_cast %broadcast_in_dim3A_103 : vector<16x1xi32> to vector<16xi32>
      %gather3A_105 = tpu.dynamic_gather %get3A_46[%gather3A_104] in [0] : vector<16xf32>, vector<16xi32> -> vector<16xf32>
      %broadcast_in_dim3A_106 = arith.constant 15 : i32
      %broadcast_in_dim3A_107 = vector.broadcast %broadcast_in_dim3A_106 : i32 to vector<16x1xi32>
      %gather3A_108 = vector.shape_cast %broadcast_in_dim3A_107 : vector<16x1xi32> to vector<16xi32>
      %gather3A_109 = tpu.dynamic_gather %get3A_46[%gather3A_108] in [0] : vector<16xf32>, vector<16xi32> -> vector<16xf32>
      %scan3A_110 = arith.constant 0 : i32
      %scan3A_111 = arith.constant 512 : i32
      %scan3A_112 = arith.addi %scan3A_110, %scan3A_111 : i32
      %scan3A_113 = arith.constant 1 : i32
      %scan3A_114:16 = scf.for %scan3A_241 = %scan3A_110 to %scan3A_112 step %scan3A_113 iter_args(%scan3A_242 = %broadcast_in_dim3A_11, %scan3A_243 = %broadcast_in_dim3A_11, %scan3A_244 = %broadcast_in_dim3A_11, %scan3A_245 = %broadcast_in_dim3A_11, %scan3A_246 = %broadcast_in_dim3A_11, %scan3A_247 = %broadcast_in_dim3A_11, %scan3A_248 = %broadcast_in_dim3A_11, %scan3A_249 = %broadcast_in_dim3A_11, %scan3A_250 = %broadcast_in_dim3A_11, %scan3A_251 = %broadcast_in_dim3A_11, %scan3A_252 = %broadcast_in_dim3A_11, %scan3A_253 = %broadcast_in_dim3A_11, %scan3A_254 = %broadcast_in_dim3A_11, %scan3A_255 = %broadcast_in_dim3A_11, %scan3A_256 = %broadcast_in_dim3A_11, %scan3A_257 = %broadcast_in_dim3A_11) -> (vector<16xf32>, vector<16xf32>, vector<16xf32>, vector<16xf32>, vector<16xf32>, vector<16xf32>, vector<16xf32>, vector<16xf32>, vector<16xf32>, vector<16xf32>, vector<16xf32>, vector<16xf32>, vector<16xf32>, vector<16xf32>, vector<16xf32>, vector<16xf32>)  : i32 {
        %mul3A_258 = arith.constant 16 : i32
        %mul3A_259 = arith.muli %scan3A_241, %mul3A_258 : i32
        %add3A_260 = arith.constant 8192 : i32
        %add3A_261 = arith.addi %add3A_260, %mul3A_259 : i32
        %get3A_262 = arith.index_cast %add3A_261 : i32 to index
        %get3A_263 = tpu.vector_load %arg7[%get3A_262] {strides = array<i32>} : memref<24576xf32, #tpu.memory_space<vmem>>, vector<16xf32>,
        %sub3A = arith.subf %get3A_263, %gather3A_49 : vector<16xf32>
        %abs3A = math.absf %sub3A : vector<16xf32>
        %sub3A_264 = arith.subf %get3A_263, %gather3A_53 : vector<16xf32>
        %abs3A_265 = math.absf %sub3A_264 : vector<16xf32>
        %sub3A_266 = arith.subf %get3A_263, %gather3A_57 : vector<16xf32>
        %abs3A_267 = math.absf %sub3A_266 : vector<16xf32>
        %sub3A_268 = arith.subf %get3A_263, %gather3A_61 : vector<16xf32>
        %abs3A_269 = math.absf %sub3A_268 : vector<16xf32>
        %sub3A_270 = arith.subf %get3A_263, %gather3A_65 : vector<16xf32>
        %abs3A_271 = math.absf %sub3A_270 : vector<16xf32>
        %sub3A_272 = arith.subf %get3A_263, %gather3A_69 : vector<16xf32>
        %abs3A_273 = math.absf %sub3A_272 : vector<16xf32>
        %sub3A_274 = arith.subf %get3A_263, %gather3A_73 : vector<16xf32>
        %abs3A_275 = math.absf %sub3A_274 : vector<16xf32>
        %sub3A_276 = arith.subf %get3A_263, %gather3A_77 : vector<16xf32>
        %abs3A_277 = math.absf %sub3A_276 : vector<16xf32>
        %sub3A_278 = arith.subf %get3A_263, %gather3A_81 : vector<16xf32>
        %abs3A_279 = math.absf %sub3A_278 : vector<16xf32>
        %sub3A_280 = arith.subf %get3A_263, %gather3A_85 : vector<16xf32>
        %abs3A_281 = math.absf %sub3A_280 : vector<16xf32>
        %sub3A_282 = arith.subf %get3A_263, %gather3A_89 : vector<16xf32>
        %abs3A_283 = math.absf %sub3A_282 : vector<16xf32>
        %sub3A_284 = arith.subf %get3A_263, %gather3A_93 : vector<16xf32>
        %abs3A_285 = math.absf %sub3A_284 : vector<16xf32>
        %sub3A_286 = arith.subf %get3A_263, %gather3A_97 : vector<16xf32>
        %abs3A_287 = math.absf %sub3A_286 : vector<16xf32>
        %sub3A_288 = arith.subf %get3A_263, %gather3A_101 : vector<16xf32>
        %abs3A_289 = math.absf %sub3A_288 : vector<16xf32>
        %sub3A_290 = arith.subf %get3A_263, %gather3A_105 : vector<16xf32>
        %abs3A_291 = math.absf %sub3A_290 : vector<16xf32>
        %sub3A_292 = arith.subf %get3A_263, %gather3A_109 : vector<16xf32>
        %abs3A_293 = math.absf %sub3A_292 : vector<16xf32>
        %min3A = arith.minimumf %abs3A, %abs3A_265 : vector<16xf32>
        %min3A_294 = arith.minimumf %abs3A_267, %abs3A_269 : vector<16xf32>
        %min3A_295 = arith.minimumf %abs3A_271, %abs3A_273 : vector<16xf32>
        %min3A_296 = arith.minimumf %abs3A_275, %abs3A_277 : vector<16xf32>
        %min3A_297 = arith.minimumf %abs3A_279, %abs3A_281 : vector<16xf32>
        %min3A_298 = arith.minimumf %abs3A_283, %abs3A_285 : vector<16xf32>
        %min3A_299 = arith.minimumf %abs3A_287, %abs3A_289 : vector<16xf32>
        %min3A_300 = arith.minimumf %abs3A_291, %abs3A_293 : vector<16xf32>
        %min3A_301 = arith.minimumf %min3A, %min3A_294 : vector<16xf32>
        %min3A_302 = arith.minimumf %min3A_295, %min3A_296 : vector<16xf32>
        %min3A_303 = arith.minimumf %min3A_297, %min3A_298 : vector<16xf32>
        %min3A_304 = arith.minimumf %min3A_299, %min3A_300 : vector<16xf32>
        %min3A_305 = arith.minimumf %min3A_301, %min3A_302 : vector<16xf32>
        %min3A_306 = arith.minimumf %min3A_303, %min3A_304 : vector<16xf32>
        %min3A_307 = arith.minimumf %min3A_305, %min3A_306 : vector<16xf32>
        %mul3A_308 = arith.constant 16 : i32
        %mul3A_309 = arith.muli %scan3A_241, %mul3A_308 : i32
        %add3A_310 = arith.constant 8192 : i32
        %add3A_311 = arith.addi %add3A_310, %mul3A_309 : i32
        %get3A_312 = arith.index_cast %add3A_311 : i32 to index
        %get3A_313 = tpu.vector_load %arg8[%get3A_312] {strides = array<i32>} : memref<24576xf32, #tpu.memory_space<vmem>>, vector<16xf32>,
        %min3A_314 = arith.minimumf %get3A_313, %min3A_307 : vector<16xf32>
        %swap3A_315 = arith.index_cast %add3A_311 : i32 to index
        %swap3A_316 = tpu.vector_load %arg8[%swap3A_315] {strides = array<i32>} : memref<24576xf32, #tpu.memory_space<vmem>>, vector<16xf32>,
        tpu.vector_store %arg8[%swap3A_315], %min3A_314 {strides = array<i32>} : memref<24576xf32, #tpu.memory_space<vmem>>, vector<16xf32>,
        %min3A_317 = arith.minimumf %scan3A_242, %abs3A : vector<16xf32>
        %min3A_318 = arith.minimumf %scan3A_243, %abs3A_265 : vector<16xf32>
        %min3A_319 = arith.minimumf %scan3A_244, %abs3A_267 : vector<16xf32>
        %min3A_320 = arith.minimumf %scan3A_245, %abs3A_269 : vector<16xf32>
        %min3A_321 = arith.minimumf %scan3A_246, %abs3A_271 : vector<16xf32>
        %min3A_322 = arith.minimumf %scan3A_247, %abs3A_273 : vector<16xf32>
        %min3A_323 = arith.minimumf %scan3A_248, %abs3A_275 : vector<16xf32>
        %min3A_324 = arith.minimumf %scan3A_249, %abs3A_277 : vector<16xf32>
        %min3A_325 = arith.minimumf %scan3A_250, %abs3A_279 : vector<16xf32>
        %min3A_326 = arith.minimumf %scan3A_251, %abs3A_281 : vector<16xf32>
        %min3A_327 = arith.minimumf %scan3A_252, %abs3A_283 : vector<16xf32>
        %min3A_328 = arith.minimumf %scan3A_253, %abs3A_285 : vector<16xf32>
        %min3A_329 = arith.minimumf %scan3A_254, %abs3A_287 : vector<16xf32>
        %min3A_330 = arith.minimumf %scan3A_255, %abs3A_289 : vector<16xf32>
        %min3A_331 = arith.minimumf %scan3A_256, %abs3A_291 : vector<16xf32>
        %min3A_332 = arith.minimumf %scan3A_257, %abs3A_293 : vector<16xf32>
        scf.yield %min3A_317, %min3A_318, %min3A_319, %min3A_320, %min3A_321, %min3A_322, %min3A_323, %min3A_324, %min3A_325, %min3A_326, %min3A_327, %min3A_328, %min3A_329, %min3A_330, %min3A_331, %min3A_332 : vector<16xf32>, vector<16xf32>, vector<16xf32>, vector<16xf32>, vector<16xf32>, vector<16xf32>, vector<16xf32>, vector<16xf32>, vector<16xf32>, vector<16xf32>, vector<16xf32>, vector<16xf32>, vector<16xf32>, vector<16xf32>, vector<16xf32>, vector<16xf32>
      }
      %scan3A_115 = arith.constant 512 : i32
      %masked_sort3A = arith.constant dense<true> : vector<16xi1>
      %masked_sort3A_116, %masked_sort3A_117, %masked_sort3A_118 = tpu.sort %scan3A_114#0, %scan3A_114#0 masked %masked_sort3A : (vector<16xf32>, vector<16xf32>, vector<16xi1>) -> (vector<16xi1>, vector<16xf32>, vector<16xf32>)
      %jit3A = arith.constant 0.000000e+00 : f32
      %broadcast_in_dim3A_119 = vector.broadcast %jit3A : f32 to vector<16xf32>
      %select_n3A = arith.select %eq3A_18, %masked_sort3A_117, %broadcast_in_dim3A_119 : vector<16xi1>, vector<16xf32>
      %add3A_120 = arith.addf %scan3A_41, %select_n3A : vector<16xf32>
      %masked_sort3A_121 = arith.constant dense<true> : vector<16xi1>
      %masked_sort3A_122, %masked_sort3A_123, %masked_sort3A_124 = tpu.sort %scan3A_114#1, %scan3A_114#1 masked %masked_sort3A_121 : (vector<16xf32>, vector<16xf32>, vector<16xi1>) -> (vector<16xi1>, vector<16xf32>, vector<16xf32>)
      %jit3A_125 = arith.constant 0.000000e+00 : f32
      %broadcast_in_dim3A_126 = vector.broadcast %jit3A_125 : f32 to vector<16xf32>
      %select_n3A_127 = arith.select %eq3A_18, %masked_sort3A_123, %broadcast_in_dim3A_126 : vector<16xi1>, vector<16xf32>
      %add3A_128 = arith.addf %add3A_120, %select_n3A_127 : vector<16xf32>
      %masked_sort3A_129 = arith.constant dense<true> : vector<16xi1>
      %masked_sort3A_130, %masked_sort3A_131, %masked_sort3A_132 = tpu.sort %scan3A_114#2, %scan3A_114#2 masked %masked_sort3A_129 : (vector<16xf32>, vector<16xf32>, vector<16xi1>) -> (vector<16xi1>, vector<16xf32>, vector<16xf32>)
      %jit3A_133 = arith.constant 0.000000e+00 : f32
      %broadcast_in_dim3A_134 = vector.broadcast %jit3A_133 : f32 to vector<16xf32>
      %select_n3A_135 = arith.select %eq3A_18, %masked_sort3A_131, %broadcast_in_dim3A_134 : vector<16xi1>, vector<16xf32>
      %add3A_136 = arith.addf %add3A_128, %select_n3A_135 : vector<16xf32>
      %masked_sort3A_137 = arith.constant dense<true> : vector<16xi1>
      %masked_sort3A_138, %masked_sort3A_139, %masked_sort3A_140 = tpu.sort %scan3A_114#3, %scan3A_114#3 masked %masked_sort3A_137 : (vector<16xf32>, vector<16xf32>, vector<16xi1>) -> (vector<16xi1>, vector<16xf32>, vector<16xf32>)
      %jit3A_141 = arith.constant 0.000000e+00 : f32
      %broadcast_in_dim3A_142 = vector.broadcast %jit3A_141 : f32 to vector<16xf32>
      %select_n3A_143 = arith.select %eq3A_18, %masked_sort3A_139, %broadcast_in_dim3A_142 : vector<16xi1>, vector<16xf32>
      %add3A_144 = arith.addf %add3A_136, %select_n3A_143 : vector<16xf32>
      %masked_sort3A_145 = arith.constant dense<true> : vector<16xi1>
      %masked_sort3A_146, %masked_sort3A_147, %masked_sort3A_148 = tpu.sort %scan3A_114#4, %scan3A_114#4 masked %masked_sort3A_145 : (vector<16xf32>, vector<16xf32>, vector<16xi1>) -> (vector<16xi1>, vector<16xf32>, vector<16xf32>)
      %jit3A_149 = arith.constant 0.000000e+00 : f32
      %broadcast_in_dim3A_150 = vector.broadcast %jit3A_149 : f32 to vector<16xf32>
      %select_n3A_151 = arith.select %eq3A_18, %masked_sort3A_147, %broadcast_in_dim3A_150 : vector<16xi1>, vector<16xf32>
      %add3A_152 = arith.addf %add3A_144, %select_n3A_151 : vector<16xf32>
      %masked_sort3A_153 = arith.constant dense<true> : vector<16xi1>
      %masked_sort3A_154, %masked_sort3A_155, %masked_sort3A_156 = tpu.sort %scan3A_114#5, %scan3A_114#5 masked %masked_sort3A_153 : (vector<16xf32>, vector<16xf32>, vector<16xi1>) -> (vector<16xi1>, vector<16xf32>, vector<16xf32>)
      %jit3A_157 = arith.constant 0.000000e+00 : f32
      %broadcast_in_dim3A_158 = vector.broadcast %jit3A_157 : f32 to vector<16xf32>
      %select_n3A_159 = arith.select %eq3A_18, %masked_sort3A_155, %broadcast_in_dim3A_158 : vector<16xi1>, vector<16xf32>
      %add3A_160 = arith.addf %add3A_152, %select_n3A_159 : vector<16xf32>
      %masked_sort3A_161 = arith.constant dense<true> : vector<16xi1>
      %masked_sort3A_162, %masked_sort3A_163, %masked_sort3A_164 = tpu.sort %scan3A_114#6, %scan3A_114#6 masked %masked_sort3A_161 : (vector<16xf32>, vector<16xf32>, vector<16xi1>) -> (vector<16xi1>, vector<16xf32>, vector<16xf32>)
      %jit3A_165 = arith.constant 0.000000e+00 : f32
      %broadcast_in_dim3A_166 = vector.broadcast %jit3A_165 : f32 to vector<16xf32>
      %select_n3A_167 = arith.select %eq3A_18, %masked_sort3A_163, %broadcast_in_dim3A_166 : vector<16xi1>, vector<16xf32>
      %add3A_168 = arith.addf %add3A_160, %select_n3A_167 : vector<16xf32>
      %masked_sort3A_169 = arith.constant dense<true> : vector<16xi1>
      %masked_sort3A_170, %masked_sort3A_171, %masked_sort3A_172 = tpu.sort %scan3A_114#7, %scan3A_114#7 masked %masked_sort3A_169 : (vector<16xf32>, vector<16xf32>, vector<16xi1>) -> (vector<16xi1>, vector<16xf32>, vector<16xf32>)
      %jit3A_173 = arith.constant 0.000000e+00 : f32
      %broadcast_in_dim3A_174 = vector.broadcast %jit3A_173 : f32 to vector<16xf32>
      %select_n3A_175 = arith.select %eq3A_18, %masked_sort3A_171, %broadcast_in_dim3A_174 : vector<16xi1>, vector<16xf32>
      %add3A_176 = arith.addf %add3A_168, %select_n3A_175 : vector<16xf32>
      %masked_sort3A_177 = arith.constant dense<true> : vector<16xi1>
      %masked_sort3A_178, %masked_sort3A_179, %masked_sort3A_180 = tpu.sort %scan3A_114#8, %scan3A_114#8 masked %masked_sort3A_177 : (vector<16xf32>, vector<16xf32>, vector<16xi1>) -> (vector<16xi1>, vector<16xf32>, vector<16xf32>)
      %jit3A_181 = arith.constant 0.000000e+00 : f32
      %broadcast_in_dim3A_182 = vector.broadcast %jit3A_181 : f32 to vector<16xf32>
      %select_n3A_183 = arith.select %eq3A_18, %masked_sort3A_179, %broadcast_in_dim3A_182 : vector<16xi1>, vector<16xf32>
      %add3A_184 = arith.addf %add3A_176, %select_n3A_183 : vector<16xf32>
      %masked_sort3A_185 = arith.constant dense<true> : vector<16xi1>
      %masked_sort3A_186, %masked_sort3A_187, %masked_sort3A_188 = tpu.sort %scan3A_114#9, %scan3A_114#9 masked %masked_sort3A_185 : (vector<16xf32>, vector<16xf32>, vector<16xi1>) -> (vector<16xi1>, vector<16xf32>, vector<16xf32>)
      %jit3A_189 = arith.constant 0.000000e+00 : f32
      %broadcast_in_dim3A_190 = vector.broadcast %jit3A_189 : f32 to vector<16xf32>
      %select_n3A_191 = arith.select %eq3A_18, %masked_sort3A_187, %broadcast_in_dim3A_190 : vector<16xi1>, vector<16xf32>
      %add3A_192 = arith.addf %add3A_184, %select_n3A_191 : vector<16xf32>
      %masked_sort3A_193 = arith.constant dense<true> : vector<16xi1>
      %masked_sort3A_194, %masked_sort3A_195, %masked_sort3A_196 = tpu.sort %scan3A_114#10, %scan3A_114#10 masked %masked_sort3A_193 : (vector<16xf32>, vector<16xf32>, vector<16xi1>) -> (vector<16xi1>, vector<16xf32>, vector<16xf32>)
      %jit3A_197 = arith.constant 0.000000e+00 : f32
      %broadcast_in_dim3A_198 = vector.broadcast %jit3A_197 : f32 to vector<16xf32>
      %select_n3A_199 = arith.select %eq3A_18, %masked_sort3A_195, %broadcast_in_dim3A_198 : vector<16xi1>, vector<16xf32>
      %add3A_200 = arith.addf %add3A_192, %select_n3A_199 : vector<16xf32>
      %masked_sort3A_201 = arith.constant dense<true> : vector<16xi1>
      %masked_sort3A_202, %masked_sort3A_203, %masked_sort3A_204 = tpu.sort %scan3A_114#11, %scan3A_114#11 masked %masked_sort3A_201 : (vector<16xf32>, vector<16xf32>, vector<16xi1>) -> (vector<16xi1>, vector<16xf32>, vector<16xf32>)
      %jit3A_205 = arith.constant 0.000000e+00 : f32
      %broadcast_in_dim3A_206 = vector.broadcast %jit3A_205 : f32 to vector<16xf32>
      %select_n3A_207 = arith.select %eq3A_18, %masked_sort3A_203, %broadcast_in_dim3A_206 : vector<16xi1>, vector<16xf32>
      %add3A_208 = arith.addf %add3A_200, %select_n3A_207 : vector<16xf32>
      %masked_sort3A_209 = arith.constant dense<true> : vector<16xi1>
      %masked_sort3A_210, %masked_sort3A_211, %masked_sort3A_212 = tpu.sort %scan3A_114#12, %scan3A_114#12 masked %masked_sort3A_209 : (vector<16xf32>, vector<16xf32>, vector<16xi1>) -> (vector<16xi1>, vector<16xf32>, vector<16xf32>)
      %jit3A_213 = arith.constant 0.000000e+00 : f32
      %broadcast_in_dim3A_214 = vector.broadcast %jit3A_213 : f32 to vector<16xf32>
      %select_n3A_215 = arith.select %eq3A_18, %masked_sort3A_211, %broadcast_in_dim3A_214 : vector<16xi1>, vector<16xf32>
      %add3A_216 = arith.addf %add3A_208, %select_n3A_215 : vector<16xf32>
      %masked_sort3A_217 = arith.constant dense<true> : vector<16xi1>
      %masked_sort3A_218, %masked_sort3A_219, %masked_sort3A_220 = tpu.sort %scan3A_114#13, %scan3A_114#13 masked %masked_sort3A_217 : (vector<16xf32>, vector<16xf32>, vector<16xi1>) -> (vector<16xi1>, vector<16xf32>, vector<16xf32>)
      %jit3A_221 = arith.constant 0.000000e+00 : f32
      %broadcast_in_dim3A_222 = vector.broadcast %jit3A_221 : f32 to vector<16xf32>
      %select_n3A_223 = arith.select %eq3A_18, %masked_sort3A_219, %broadcast_in_dim3A_222 : vector<16xi1>, vector<16xf32>
      %add3A_224 = arith.addf %add3A_216, %select_n3A_223 : vector<16xf32>
      %masked_sort3A_225 = arith.constant dense<true> : vector<16xi1>
      %masked_sort3A_226, %masked_sort3A_227, %masked_sort3A_228 = tpu.sort %scan3A_114#14, %scan3A_114#14 masked %masked_sort3A_225 : (vector<16xf32>, vector<16xf32>, vector<16xi1>) -> (vector<16xi1>, vector<16xf32>, vector<16xf32>)
      %jit3A_229 = arith.constant 0.000000e+00 : f32
      %broadcast_in_dim3A_230 = vector.broadcast %jit3A_229 : f32 to vector<16xf32>
      %select_n3A_231 = arith.select %eq3A_18, %masked_sort3A_227, %broadcast_in_dim3A_230 : vector<16xi1>, vector<16xf32>
      %add3A_232 = arith.addf %add3A_224, %select_n3A_231 : vector<16xf32>
      %masked_sort3A_233 = arith.constant dense<true> : vector<16xi1>
      %masked_sort3A_234, %masked_sort3A_235, %masked_sort3A_236 = tpu.sort %scan3A_114#15, %scan3A_114#15 masked %masked_sort3A_233 : (vector<16xf32>, vector<16xf32>, vector<16xi1>) -> (vector<16xi1>, vector<16xf32>, vector<16xf32>)
      %jit3A_237 = arith.constant 0.000000e+00 : f32
      %broadcast_in_dim3A_238 = vector.broadcast %jit3A_237 : f32 to vector<16xf32>
      %select_n3A_239 = arith.select %eq3A_18, %masked_sort3A_235, %broadcast_in_dim3A_238 : vector<16xi1>, vector<16xf32>
      %add3A_240 = arith.addf %add3A_232, %select_n3A_239 : vector<16xf32>
      scf.yield %add3A_240 : vector<16xf32>
    }
    %scan3A_32 = arith.constant 5 : i32
    %scan3A_33 = arith.constant 0 : i32
    %scan3A_34 = arith.constant 5 : i32
    %scan3A_35 = arith.addi %scan3A_33, %scan3A_34 : i32
    %scan3A_36 = arith.constant 1 : i32
    %scan3A_37 = scf.for %scan3A_40 = %scan3A_33 to %scan3A_35 step %scan3A_36 iter_args(%scan3A_41 = %scan3A_31) -> (vector<16xf32>)  : i32 {
      %mul3A_42 = arith.constant 16 : i32
      %mul3A_43 = arith.muli %scan3A_40, %mul3A_42 : i32
      %add3A_44 = arith.constant 160 : i32
      %add3A_45 = arith.addi %add3A_44, %mul3A_43 : i32
      %get3A = arith.index_cast %add3A_45 : i32 to index
      %get3A_46 = tpu.vector_load %arg6[%get3A] {strides = array<i32>} : memref<240xf32, #tpu.memory_space<vmem>>, vector<16xf32>,
      %broadcast_in_dim3A_47 = arith.constant 0 : i32
      %broadcast_in_dim3A_48 = vector.broadcast %broadcast_in_dim3A_47 : i32 to vector<16x1xi32>
      %gather3A = vector.shape_cast %broadcast_in_dim3A_48 : vector<16x1xi32> to vector<16xi32>
      %gather3A_49 = tpu.dynamic_gather %get3A_46[%gather3A] in [0] : vector<16xf32>, vector<16xi32> -> vector<16xf32>
      %broadcast_in_dim3A_50 = arith.constant 1 : i32
      %broadcast_in_dim3A_51 = vector.broadcast %broadcast_in_dim3A_50 : i32 to vector<16x1xi32>
      %gather3A_52 = vector.shape_cast %broadcast_in_dim3A_51 : vector<16x1xi32> to vector<16xi32>
      %gather3A_53 = tpu.dynamic_gather %get3A_46[%gather3A_52] in [0] : vector<16xf32>, vector<16xi32> -> vector<16xf32>
      %broadcast_in_dim3A_54 = arith.constant 2 : i32
      %broadcast_in_dim3A_55 = vector.broadcast %broadcast_in_dim3A_54 : i32 to vector<16x1xi32>
      %gather3A_56 = vector.shape_cast %broadcast_in_dim3A_55 : vector<16x1xi32> to vector<16xi32>
      %gather3A_57 = tpu.dynamic_gather %get3A_46[%gather3A_56] in [0] : vector<16xf32>, vector<16xi32> -> vector<16xf32>
      %broadcast_in_dim3A_58 = arith.constant 3 : i32
      %broadcast_in_dim3A_59 = vector.broadcast %broadcast_in_dim3A_58 : i32 to vector<16x1xi32>
      %gather3A_60 = vector.shape_cast %broadcast_in_dim3A_59 : vector<16x1xi32> to vector<16xi32>
      %gather3A_61 = tpu.dynamic_gather %get3A_46[%gather3A_60] in [0] : vector<16xf32>, vector<16xi32> -> vector<16xf32>
      %broadcast_in_dim3A_62 = arith.constant 4 : i32
      %broadcast_in_dim3A_63 = vector.broadcast %broadcast_in_dim3A_62 : i32 to vector<16x1xi32>
      %gather3A_64 = vector.shape_cast %broadcast_in_dim3A_63 : vector<16x1xi32> to vector<16xi32>
      %gather3A_65 = tpu.dynamic_gather %get3A_46[%gather3A_64] in [0] : vector<16xf32>, vector<16xi32> -> vector<16xf32>
      %broadcast_in_dim3A_66 = arith.constant 5 : i32
      %broadcast_in_dim3A_67 = vector.broadcast %broadcast_in_dim3A_66 : i32 to vector<16x1xi32>
      %gather3A_68 = vector.shape_cast %broadcast_in_dim3A_67 : vector<16x1xi32> to vector<16xi32>
      %gather3A_69 = tpu.dynamic_gather %get3A_46[%gather3A_68] in [0] : vector<16xf32>, vector<16xi32> -> vector<16xf32>
      %broadcast_in_dim3A_70 = arith.constant 6 : i32
      %broadcast_in_dim3A_71 = vector.broadcast %broadcast_in_dim3A_70 : i32 to vector<16x1xi32>
      %gather3A_72 = vector.shape_cast %broadcast_in_dim3A_71 : vector<16x1xi32> to vector<16xi32>
      %gather3A_73 = tpu.dynamic_gather %get3A_46[%gather3A_72] in [0] : vector<16xf32>, vector<16xi32> -> vector<16xf32>
      %broadcast_in_dim3A_74 = arith.constant 7 : i32
      %broadcast_in_dim3A_75 = vector.broadcast %broadcast_in_dim3A_74 : i32 to vector<16x1xi32>
      %gather3A_76 = vector.shape_cast %broadcast_in_dim3A_75 : vector<16x1xi32> to vector<16xi32>
      %gather3A_77 = tpu.dynamic_gather %get3A_46[%gather3A_76] in [0] : vector<16xf32>, vector<16xi32> -> vector<16xf32>
      %broadcast_in_dim3A_78 = arith.constant 8 : i32
      %broadcast_in_dim3A_79 = vector.broadcast %broadcast_in_dim3A_78 : i32 to vector<16x1xi32>
      %gather3A_80 = vector.shape_cast %broadcast_in_dim3A_79 : vector<16x1xi32> to vector<16xi32>
      %gather3A_81 = tpu.dynamic_gather %get3A_46[%gather3A_80] in [0] : vector<16xf32>, vector<16xi32> -> vector<16xf32>
      %broadcast_in_dim3A_82 = arith.constant 9 : i32
      %broadcast_in_dim3A_83 = vector.broadcast %broadcast_in_dim3A_82 : i32 to vector<16x1xi32>
      %gather3A_84 = vector.shape_cast %broadcast_in_dim3A_83 : vector<16x1xi32> to vector<16xi32>
      %gather3A_85 = tpu.dynamic_gather %get3A_46[%gather3A_84] in [0] : vector<16xf32>, vector<16xi32> -> vector<16xf32>
      %broadcast_in_dim3A_86 = arith.constant 10 : i32
      %broadcast_in_dim3A_87 = vector.broadcast %broadcast_in_dim3A_86 : i32 to vector<16x1xi32>
      %gather3A_88 = vector.shape_cast %broadcast_in_dim3A_87 : vector<16x1xi32> to vector<16xi32>
      %gather3A_89 = tpu.dynamic_gather %get3A_46[%gather3A_88] in [0] : vector<16xf32>, vector<16xi32> -> vector<16xf32>
      %broadcast_in_dim3A_90 = arith.constant 11 : i32
      %broadcast_in_dim3A_91 = vector.broadcast %broadcast_in_dim3A_90 : i32 to vector<16x1xi32>
      %gather3A_92 = vector.shape_cast %broadcast_in_dim3A_91 : vector<16x1xi32> to vector<16xi32>
      %gather3A_93 = tpu.dynamic_gather %get3A_46[%gather3A_92] in [0] : vector<16xf32>, vector<16xi32> -> vector<16xf32>
      %broadcast_in_dim3A_94 = arith.constant 12 : i32
      %broadcast_in_dim3A_95 = vector.broadcast %broadcast_in_dim3A_94 : i32 to vector<16x1xi32>
      %gather3A_96 = vector.shape_cast %broadcast_in_dim3A_95 : vector<16x1xi32> to vector<16xi32>
      %gather3A_97 = tpu.dynamic_gather %get3A_46[%gather3A_96] in [0] : vector<16xf32>, vector<16xi32> -> vector<16xf32>
      %broadcast_in_dim3A_98 = arith.constant 13 : i32
      %broadcast_in_dim3A_99 = vector.broadcast %broadcast_in_dim3A_98 : i32 to vector<16x1xi32>
      %gather3A_100 = vector.shape_cast %broadcast_in_dim3A_99 : vector<16x1xi32> to vector<16xi32>
      %gather3A_101 = tpu.dynamic_gather %get3A_46[%gather3A_100] in [0] : vector<16xf32>, vector<16xi32> -> vector<16xf32>
      %broadcast_in_dim3A_102 = arith.constant 14 : i32
      %broadcast_in_dim3A_103 = vector.broadcast %broadcast_in_dim3A_102 : i32 to vector<16x1xi32>
      %gather3A_104 = vector.shape_cast %broadcast_in_dim3A_103 : vector<16x1xi32> to vector<16xi32>
      %gather3A_105 = tpu.dynamic_gather %get3A_46[%gather3A_104] in [0] : vector<16xf32>, vector<16xi32> -> vector<16xf32>
      %broadcast_in_dim3A_106 = arith.constant 15 : i32
      %broadcast_in_dim3A_107 = vector.broadcast %broadcast_in_dim3A_106 : i32 to vector<16x1xi32>
      %gather3A_108 = vector.shape_cast %broadcast_in_dim3A_107 : vector<16x1xi32> to vector<16xi32>
      %gather3A_109 = tpu.dynamic_gather %get3A_46[%gather3A_108] in [0] : vector<16xf32>, vector<16xi32> -> vector<16xf32>
      %scan3A_110 = arith.constant 0 : i32
      %scan3A_111 = arith.constant 512 : i32
      %scan3A_112 = arith.addi %scan3A_110, %scan3A_111 : i32
      %scan3A_113 = arith.constant 1 : i32
      %scan3A_114:16 = scf.for %scan3A_241 = %scan3A_110 to %scan3A_112 step %scan3A_113 iter_args(%scan3A_242 = %broadcast_in_dim3A_11, %scan3A_243 = %broadcast_in_dim3A_11, %scan3A_244 = %broadcast_in_dim3A_11, %scan3A_245 = %broadcast_in_dim3A_11, %scan3A_246 = %broadcast_in_dim3A_11, %scan3A_247 = %broadcast_in_dim3A_11, %scan3A_248 = %broadcast_in_dim3A_11, %scan3A_249 = %broadcast_in_dim3A_11, %scan3A_250 = %broadcast_in_dim3A_11, %scan3A_251 = %broadcast_in_dim3A_11, %scan3A_252 = %broadcast_in_dim3A_11, %scan3A_253 = %broadcast_in_dim3A_11, %scan3A_254 = %broadcast_in_dim3A_11, %scan3A_255 = %broadcast_in_dim3A_11, %scan3A_256 = %broadcast_in_dim3A_11, %scan3A_257 = %broadcast_in_dim3A_11) -> (vector<16xf32>, vector<16xf32>, vector<16xf32>, vector<16xf32>, vector<16xf32>, vector<16xf32>, vector<16xf32>, vector<16xf32>, vector<16xf32>, vector<16xf32>, vector<16xf32>, vector<16xf32>, vector<16xf32>, vector<16xf32>, vector<16xf32>, vector<16xf32>)  : i32 {
        %mul3A_258 = arith.constant 16 : i32
        %mul3A_259 = arith.muli %scan3A_241, %mul3A_258 : i32
        %add3A_260 = arith.constant 16384 : i32
        %add3A_261 = arith.addi %add3A_260, %mul3A_259 : i32
        %get3A_262 = arith.index_cast %add3A_261 : i32 to index
        %get3A_263 = tpu.vector_load %arg7[%get3A_262] {strides = array<i32>} : memref<24576xf32, #tpu.memory_space<vmem>>, vector<16xf32>,
        %sub3A = arith.subf %get3A_263, %gather3A_49 : vector<16xf32>
        %abs3A = math.absf %sub3A : vector<16xf32>
        %sub3A_264 = arith.subf %get3A_263, %gather3A_53 : vector<16xf32>
        %abs3A_265 = math.absf %sub3A_264 : vector<16xf32>
        %sub3A_266 = arith.subf %get3A_263, %gather3A_57 : vector<16xf32>
        %abs3A_267 = math.absf %sub3A_266 : vector<16xf32>
        %sub3A_268 = arith.subf %get3A_263, %gather3A_61 : vector<16xf32>
        %abs3A_269 = math.absf %sub3A_268 : vector<16xf32>
        %sub3A_270 = arith.subf %get3A_263, %gather3A_65 : vector<16xf32>
        %abs3A_271 = math.absf %sub3A_270 : vector<16xf32>
        %sub3A_272 = arith.subf %get3A_263, %gather3A_69 : vector<16xf32>
        %abs3A_273 = math.absf %sub3A_272 : vector<16xf32>
        %sub3A_274 = arith.subf %get3A_263, %gather3A_73 : vector<16xf32>
        %abs3A_275 = math.absf %sub3A_274 : vector<16xf32>
        %sub3A_276 = arith.subf %get3A_263, %gather3A_77 : vector<16xf32>
        %abs3A_277 = math.absf %sub3A_276 : vector<16xf32>
        %sub3A_278 = arith.subf %get3A_263, %gather3A_81 : vector<16xf32>
        %abs3A_279 = math.absf %sub3A_278 : vector<16xf32>
        %sub3A_280 = arith.subf %get3A_263, %gather3A_85 : vector<16xf32>
        %abs3A_281 = math.absf %sub3A_280 : vector<16xf32>
        %sub3A_282 = arith.subf %get3A_263, %gather3A_89 : vector<16xf32>
        %abs3A_283 = math.absf %sub3A_282 : vector<16xf32>
        %sub3A_284 = arith.subf %get3A_263, %gather3A_93 : vector<16xf32>
        %abs3A_285 = math.absf %sub3A_284 : vector<16xf32>
        %sub3A_286 = arith.subf %get3A_263, %gather3A_97 : vector<16xf32>
        %abs3A_287 = math.absf %sub3A_286 : vector<16xf32>
        %sub3A_288 = arith.subf %get3A_263, %gather3A_101 : vector<16xf32>
        %abs3A_289 = math.absf %sub3A_288 : vector<16xf32>
        %sub3A_290 = arith.subf %get3A_263, %gather3A_105 : vector<16xf32>
        %abs3A_291 = math.absf %sub3A_290 : vector<16xf32>
        %sub3A_292 = arith.subf %get3A_263, %gather3A_109 : vector<16xf32>
        %abs3A_293 = math.absf %sub3A_292 : vector<16xf32>
        %min3A = arith.minimumf %abs3A, %abs3A_265 : vector<16xf32>
        %min3A_294 = arith.minimumf %abs3A_267, %abs3A_269 : vector<16xf32>
        %min3A_295 = arith.minimumf %abs3A_271, %abs3A_273 : vector<16xf32>
        %min3A_296 = arith.minimumf %abs3A_275, %abs3A_277 : vector<16xf32>
        %min3A_297 = arith.minimumf %abs3A_279, %abs3A_281 : vector<16xf32>
        %min3A_298 = arith.minimumf %abs3A_283, %abs3A_285 : vector<16xf32>
        %min3A_299 = arith.minimumf %abs3A_287, %abs3A_289 : vector<16xf32>
        %min3A_300 = arith.minimumf %abs3A_291, %abs3A_293 : vector<16xf32>
        %min3A_301 = arith.minimumf %min3A, %min3A_294 : vector<16xf32>
        %min3A_302 = arith.minimumf %min3A_295, %min3A_296 : vector<16xf32>
        %min3A_303 = arith.minimumf %min3A_297, %min3A_298 : vector<16xf32>
        %min3A_304 = arith.minimumf %min3A_299, %min3A_300 : vector<16xf32>
        %min3A_305 = arith.minimumf %min3A_301, %min3A_302 : vector<16xf32>
        %min3A_306 = arith.minimumf %min3A_303, %min3A_304 : vector<16xf32>
        %min3A_307 = arith.minimumf %min3A_305, %min3A_306 : vector<16xf32>
        %mul3A_308 = arith.constant 16 : i32
        %mul3A_309 = arith.muli %scan3A_241, %mul3A_308 : i32
        %add3A_310 = arith.constant 16384 : i32
        %add3A_311 = arith.addi %add3A_310, %mul3A_309 : i32
        %get3A_312 = arith.index_cast %add3A_311 : i32 to index
        %get3A_313 = tpu.vector_load %arg8[%get3A_312] {strides = array<i32>} : memref<24576xf32, #tpu.memory_space<vmem>>, vector<16xf32>,
        %min3A_314 = arith.minimumf %get3A_313, %min3A_307 : vector<16xf32>
        %swap3A_315 = arith.index_cast %add3A_311 : i32 to index
        %swap3A_316 = tpu.vector_load %arg8[%swap3A_315] {strides = array<i32>} : memref<24576xf32, #tpu.memory_space<vmem>>, vector<16xf32>,
        tpu.vector_store %arg8[%swap3A_315], %min3A_314 {strides = array<i32>} : memref<24576xf32, #tpu.memory_space<vmem>>, vector<16xf32>,
        %min3A_317 = arith.minimumf %scan3A_242, %abs3A : vector<16xf32>
        %min3A_318 = arith.minimumf %scan3A_243, %abs3A_265 : vector<16xf32>
        %min3A_319 = arith.minimumf %scan3A_244, %abs3A_267 : vector<16xf32>
        %min3A_320 = arith.minimumf %scan3A_245, %abs3A_269 : vector<16xf32>
        %min3A_321 = arith.minimumf %scan3A_246, %abs3A_271 : vector<16xf32>
        %min3A_322 = arith.minimumf %scan3A_247, %abs3A_273 : vector<16xf32>
        %min3A_323 = arith.minimumf %scan3A_248, %abs3A_275 : vector<16xf32>
        %min3A_324 = arith.minimumf %scan3A_249, %abs3A_277 : vector<16xf32>
        %min3A_325 = arith.minimumf %scan3A_250, %abs3A_279 : vector<16xf32>
        %min3A_326 = arith.minimumf %scan3A_251, %abs3A_281 : vector<16xf32>
        %min3A_327 = arith.minimumf %scan3A_252, %abs3A_283 : vector<16xf32>
        %min3A_328 = arith.minimumf %scan3A_253, %abs3A_285 : vector<16xf32>
        %min3A_329 = arith.minimumf %scan3A_254, %abs3A_287 : vector<16xf32>
        %min3A_330 = arith.minimumf %scan3A_255, %abs3A_289 : vector<16xf32>
        %min3A_331 = arith.minimumf %scan3A_256, %abs3A_291 : vector<16xf32>
        %min3A_332 = arith.minimumf %scan3A_257, %abs3A_293 : vector<16xf32>
        scf.yield %min3A_317, %min3A_318, %min3A_319, %min3A_320, %min3A_321, %min3A_322, %min3A_323, %min3A_324, %min3A_325, %min3A_326, %min3A_327, %min3A_328, %min3A_329, %min3A_330, %min3A_331, %min3A_332 : vector<16xf32>, vector<16xf32>, vector<16xf32>, vector<16xf32>, vector<16xf32>, vector<16xf32>, vector<16xf32>, vector<16xf32>, vector<16xf32>, vector<16xf32>, vector<16xf32>, vector<16xf32>, vector<16xf32>, vector<16xf32>, vector<16xf32>, vector<16xf32>
      }
      %scan3A_115 = arith.constant 512 : i32
      %masked_sort3A = arith.constant dense<true> : vector<16xi1>
      %masked_sort3A_116, %masked_sort3A_117, %masked_sort3A_118 = tpu.sort %scan3A_114#0, %scan3A_114#0 masked %masked_sort3A : (vector<16xf32>, vector<16xf32>, vector<16xi1>) -> (vector<16xi1>, vector<16xf32>, vector<16xf32>)
      %jit3A = arith.constant 0.000000e+00 : f32
      %broadcast_in_dim3A_119 = vector.broadcast %jit3A : f32 to vector<16xf32>
      %select_n3A = arith.select %eq3A_18, %masked_sort3A_117, %broadcast_in_dim3A_119 : vector<16xi1>, vector<16xf32>
      %add3A_120 = arith.addf %scan3A_41, %select_n3A : vector<16xf32>
      %masked_sort3A_121 = arith.constant dense<true> : vector<16xi1>
      %masked_sort3A_122, %masked_sort3A_123, %masked_sort3A_124 = tpu.sort %scan3A_114#1, %scan3A_114#1 masked %masked_sort3A_121 : (vector<16xf32>, vector<16xf32>, vector<16xi1>) -> (vector<16xi1>, vector<16xf32>, vector<16xf32>)
      %jit3A_125 = arith.constant 0.000000e+00 : f32
      %broadcast_in_dim3A_126 = vector.broadcast %jit3A_125 : f32 to vector<16xf32>
      %select_n3A_127 = arith.select %eq3A_18, %masked_sort3A_123, %broadcast_in_dim3A_126 : vector<16xi1>, vector<16xf32>
      %add3A_128 = arith.addf %add3A_120, %select_n3A_127 : vector<16xf32>
      %masked_sort3A_129 = arith.constant dense<true> : vector<16xi1>
      %masked_sort3A_130, %masked_sort3A_131, %masked_sort3A_132 = tpu.sort %scan3A_114#2, %scan3A_114#2 masked %masked_sort3A_129 : (vector<16xf32>, vector<16xf32>, vector<16xi1>) -> (vector<16xi1>, vector<16xf32>, vector<16xf32>)
      %jit3A_133 = arith.constant 0.000000e+00 : f32
      %broadcast_in_dim3A_134 = vector.broadcast %jit3A_133 : f32 to vector<16xf32>
      %select_n3A_135 = arith.select %eq3A_18, %masked_sort3A_131, %broadcast_in_dim3A_134 : vector<16xi1>, vector<16xf32>
      %add3A_136 = arith.addf %add3A_128, %select_n3A_135 : vector<16xf32>
      %masked_sort3A_137 = arith.constant dense<true> : vector<16xi1>
      %masked_sort3A_138, %masked_sort3A_139, %masked_sort3A_140 = tpu.sort %scan3A_114#3, %scan3A_114#3 masked %masked_sort3A_137 : (vector<16xf32>, vector<16xf32>, vector<16xi1>) -> (vector<16xi1>, vector<16xf32>, vector<16xf32>)
      %jit3A_141 = arith.constant 0.000000e+00 : f32
      %broadcast_in_dim3A_142 = vector.broadcast %jit3A_141 : f32 to vector<16xf32>
      %select_n3A_143 = arith.select %eq3A_18, %masked_sort3A_139, %broadcast_in_dim3A_142 : vector<16xi1>, vector<16xf32>
      %add3A_144 = arith.addf %add3A_136, %select_n3A_143 : vector<16xf32>
      %masked_sort3A_145 = arith.constant dense<true> : vector<16xi1>
      %masked_sort3A_146, %masked_sort3A_147, %masked_sort3A_148 = tpu.sort %scan3A_114#4, %scan3A_114#4 masked %masked_sort3A_145 : (vector<16xf32>, vector<16xf32>, vector<16xi1>) -> (vector<16xi1>, vector<16xf32>, vector<16xf32>)
      %jit3A_149 = arith.constant 0.000000e+00 : f32
      %broadcast_in_dim3A_150 = vector.broadcast %jit3A_149 : f32 to vector<16xf32>
      %select_n3A_151 = arith.select %eq3A_18, %masked_sort3A_147, %broadcast_in_dim3A_150 : vector<16xi1>, vector<16xf32>
      %add3A_152 = arith.addf %add3A_144, %select_n3A_151 : vector<16xf32>
      %masked_sort3A_153 = arith.constant dense<true> : vector<16xi1>
      %masked_sort3A_154, %masked_sort3A_155, %masked_sort3A_156 = tpu.sort %scan3A_114#5, %scan3A_114#5 masked %masked_sort3A_153 : (vector<16xf32>, vector<16xf32>, vector<16xi1>) -> (vector<16xi1>, vector<16xf32>, vector<16xf32>)
      %jit3A_157 = arith.constant 0.000000e+00 : f32
      %broadcast_in_dim3A_158 = vector.broadcast %jit3A_157 : f32 to vector<16xf32>
      %select_n3A_159 = arith.select %eq3A_18, %masked_sort3A_155, %broadcast_in_dim3A_158 : vector<16xi1>, vector<16xf32>
      %add3A_160 = arith.addf %add3A_152, %select_n3A_159 : vector<16xf32>
      %masked_sort3A_161 = arith.constant dense<true> : vector<16xi1>
      %masked_sort3A_162, %masked_sort3A_163, %masked_sort3A_164 = tpu.sort %scan3A_114#6, %scan3A_114#6 masked %masked_sort3A_161 : (vector<16xf32>, vector<16xf32>, vector<16xi1>) -> (vector<16xi1>, vector<16xf32>, vector<16xf32>)
      %jit3A_165 = arith.constant 0.000000e+00 : f32
      %broadcast_in_dim3A_166 = vector.broadcast %jit3A_165 : f32 to vector<16xf32>
      %select_n3A_167 = arith.select %eq3A_18, %masked_sort3A_163, %broadcast_in_dim3A_166 : vector<16xi1>, vector<16xf32>
      %add3A_168 = arith.addf %add3A_160, %select_n3A_167 : vector<16xf32>
      %masked_sort3A_169 = arith.constant dense<true> : vector<16xi1>
      %masked_sort3A_170, %masked_sort3A_171, %masked_sort3A_172 = tpu.sort %scan3A_114#7, %scan3A_114#7 masked %masked_sort3A_169 : (vector<16xf32>, vector<16xf32>, vector<16xi1>) -> (vector<16xi1>, vector<16xf32>, vector<16xf32>)
      %jit3A_173 = arith.constant 0.000000e+00 : f32
      %broadcast_in_dim3A_174 = vector.broadcast %jit3A_173 : f32 to vector<16xf32>
      %select_n3A_175 = arith.select %eq3A_18, %masked_sort3A_171, %broadcast_in_dim3A_174 : vector<16xi1>, vector<16xf32>
      %add3A_176 = arith.addf %add3A_168, %select_n3A_175 : vector<16xf32>
      %masked_sort3A_177 = arith.constant dense<true> : vector<16xi1>
      %masked_sort3A_178, %masked_sort3A_179, %masked_sort3A_180 = tpu.sort %scan3A_114#8, %scan3A_114#8 masked %masked_sort3A_177 : (vector<16xf32>, vector<16xf32>, vector<16xi1>) -> (vector<16xi1>, vector<16xf32>, vector<16xf32>)
      %jit3A_181 = arith.constant 0.000000e+00 : f32
      %broadcast_in_dim3A_182 = vector.broadcast %jit3A_181 : f32 to vector<16xf32>
      %select_n3A_183 = arith.select %eq3A_18, %masked_sort3A_179, %broadcast_in_dim3A_182 : vector<16xi1>, vector<16xf32>
      %add3A_184 = arith.addf %add3A_176, %select_n3A_183 : vector<16xf32>
      %masked_sort3A_185 = arith.constant dense<true> : vector<16xi1>
      %masked_sort3A_186, %masked_sort3A_187, %masked_sort3A_188 = tpu.sort %scan3A_114#9, %scan3A_114#9 masked %masked_sort3A_185 : (vector<16xf32>, vector<16xf32>, vector<16xi1>) -> (vector<16xi1>, vector<16xf32>, vector<16xf32>)
      %jit3A_189 = arith.constant 0.000000e+00 : f32
      %broadcast_in_dim3A_190 = vector.broadcast %jit3A_189 : f32 to vector<16xf32>
      %select_n3A_191 = arith.select %eq3A_18, %masked_sort3A_187, %broadcast_in_dim3A_190 : vector<16xi1>, vector<16xf32>
      %add3A_192 = arith.addf %add3A_184, %select_n3A_191 : vector<16xf32>
      %masked_sort3A_193 = arith.constant dense<true> : vector<16xi1>
      %masked_sort3A_194, %masked_sort3A_195, %masked_sort3A_196 = tpu.sort %scan3A_114#10, %scan3A_114#10 masked %masked_sort3A_193 : (vector<16xf32>, vector<16xf32>, vector<16xi1>) -> (vector<16xi1>, vector<16xf32>, vector<16xf32>)
      %jit3A_197 = arith.constant 0.000000e+00 : f32
      %broadcast_in_dim3A_198 = vector.broadcast %jit3A_197 : f32 to vector<16xf32>
      %select_n3A_199 = arith.select %eq3A_18, %masked_sort3A_195, %broadcast_in_dim3A_198 : vector<16xi1>, vector<16xf32>
      %add3A_200 = arith.addf %add3A_192, %select_n3A_199 : vector<16xf32>
      %masked_sort3A_201 = arith.constant dense<true> : vector<16xi1>
      %masked_sort3A_202, %masked_sort3A_203, %masked_sort3A_204 = tpu.sort %scan3A_114#11, %scan3A_114#11 masked %masked_sort3A_201 : (vector<16xf32>, vector<16xf32>, vector<16xi1>) -> (vector<16xi1>, vector<16xf32>, vector<16xf32>)
      %jit3A_205 = arith.constant 0.000000e+00 : f32
      %broadcast_in_dim3A_206 = vector.broadcast %jit3A_205 : f32 to vector<16xf32>
      %select_n3A_207 = arith.select %eq3A_18, %masked_sort3A_203, %broadcast_in_dim3A_206 : vector<16xi1>, vector<16xf32>
      %add3A_208 = arith.addf %add3A_200, %select_n3A_207 : vector<16xf32>
      %masked_sort3A_209 = arith.constant dense<true> : vector<16xi1>
      %masked_sort3A_210, %masked_sort3A_211, %masked_sort3A_212 = tpu.sort %scan3A_114#12, %scan3A_114#12 masked %masked_sort3A_209 : (vector<16xf32>, vector<16xf32>, vector<16xi1>) -> (vector<16xi1>, vector<16xf32>, vector<16xf32>)
      %jit3A_213 = arith.constant 0.000000e+00 : f32
      %broadcast_in_dim3A_214 = vector.broadcast %jit3A_213 : f32 to vector<16xf32>
      %select_n3A_215 = arith.select %eq3A_18, %masked_sort3A_211, %broadcast_in_dim3A_214 : vector<16xi1>, vector<16xf32>
      %add3A_216 = arith.addf %add3A_208, %select_n3A_215 : vector<16xf32>
      %masked_sort3A_217 = arith.constant dense<true> : vector<16xi1>
      %masked_sort3A_218, %masked_sort3A_219, %masked_sort3A_220 = tpu.sort %scan3A_114#13, %scan3A_114#13 masked %masked_sort3A_217 : (vector<16xf32>, vector<16xf32>, vector<16xi1>) -> (vector<16xi1>, vector<16xf32>, vector<16xf32>)
      %jit3A_221 = arith.constant 0.000000e+00 : f32
      %broadcast_in_dim3A_222 = vector.broadcast %jit3A_221 : f32 to vector<16xf32>
      %select_n3A_223 = arith.select %eq3A_18, %masked_sort3A_219, %broadcast_in_dim3A_222 : vector<16xi1>, vector<16xf32>
      %add3A_224 = arith.addf %add3A_216, %select_n3A_223 : vector<16xf32>
      %masked_sort3A_225 = arith.constant dense<true> : vector<16xi1>
      %masked_sort3A_226, %masked_sort3A_227, %masked_sort3A_228 = tpu.sort %scan3A_114#14, %scan3A_114#14 masked %masked_sort3A_225 : (vector<16xf32>, vector<16xf32>, vector<16xi1>) -> (vector<16xi1>, vector<16xf32>, vector<16xf32>)
      %jit3A_229 = arith.constant 0.000000e+00 : f32
      %broadcast_in_dim3A_230 = vector.broadcast %jit3A_229 : f32 to vector<16xf32>
      %select_n3A_231 = arith.select %eq3A_18, %masked_sort3A_227, %broadcast_in_dim3A_230 : vector<16xi1>, vector<16xf32>
      %add3A_232 = arith.addf %add3A_224, %select_n3A_231 : vector<16xf32>
      %masked_sort3A_233 = arith.constant dense<true> : vector<16xi1>
      %masked_sort3A_234, %masked_sort3A_235, %masked_sort3A_236 = tpu.sort %scan3A_114#15, %scan3A_114#15 masked %masked_sort3A_233 : (vector<16xf32>, vector<16xf32>, vector<16xi1>) -> (vector<16xi1>, vector<16xf32>, vector<16xf32>)
      %jit3A_237 = arith.constant 0.000000e+00 : f32
      %broadcast_in_dim3A_238 = vector.broadcast %jit3A_237 : f32 to vector<16xf32>
      %select_n3A_239 = arith.select %eq3A_18, %masked_sort3A_235, %broadcast_in_dim3A_238 : vector<16xi1>, vector<16xf32>
      %add3A_240 = arith.addf %add3A_232, %select_n3A_239 : vector<16xf32>
      scf.yield %add3A_240 : vector<16xf32>
    }
    %scan3A_38 = arith.constant 5 : i32
    %swap3A = arith.constant 0 : index
    %swap3A_39 = tpu.vector_load %arg9[%swap3A] {strides = array<i32>} : memref<16xf32, #tpu.memory_space<vmem>>, vector<16xf32>,
    tpu.vector_store %arg9[%swap3A], %scan3A_37 {strides = array<i32>} : memref<16xf32, #tpu.memory_space<vmem>>, vector<16xf32>,
    "tpu.region"() ({
      %run_scoped3A = tpu.sem_alloc : memref<!tpu.dma_semaphore, #tpu.memory_space<semaphore_mem>>
      %dma_start3A = arith.constant 0 : i32
      %dma_start3A_40 = tpu.memref_slice %arg4[%add3A, %dma_start3A] : memref<32x16xf32, #tpu.memory_space<hbm>> -> memref<1x16xf32, #tpu.memory_space<hbm>>
      %dma_start3A_41 = tpu.memref_squeeze %dma_start3A_40 : memref<1x16xf32, #tpu.memory_space<hbm>> -> memref<16xf32, #tpu.memory_space<hbm>>
      %dma_start3A_42 = arith.constant 0 : i32
      %dma_start3A_43 = tpu.memref_slice %arg4[%add3A, %dma_start3A_42] : memref<32x16xf32, #tpu.memory_space<hbm>> -> memref<1x16xf32, #tpu.memory_space<hbm>>
      %dma_start3A_44 = tpu.memref_squeeze %dma_start3A_43 : memref<1x16xf32, #tpu.memory_space<hbm>> -> memref<16xf32, #tpu.memory_space<hbm>>
      tpu.enqueue_dma source(%arg9 : memref<16xf32, #tpu.memory_space<vmem>>) target(%dma_start3A_44 : memref<16xf32, #tpu.memory_space<hbm>>) target_semaphore(%run_scoped3A : memref<!tpu.dma_semaphore, #tpu.memory_space<semaphore_mem>>)
      %dma_wait3A = arith.constant 0 : i32
      %dma_wait3A_45 = tpu.memref_slice %arg4[%add3A, %dma_wait3A] : memref<32x16xf32, #tpu.memory_space<hbm>> -> memref<1x16xf32, #tpu.memory_space<hbm>>
      %dma_wait3A_46 = tpu.memref_squeeze %dma_wait3A_45 : memref<1x16xf32, #tpu.memory_space<hbm>> -> memref<16xf32, #tpu.memory_space<hbm>>
      %dma_wait3A_47 = arith.constant 0 : i32
      %dma_wait3A_48 = tpu.memref_slice %arg4[%add3A, %dma_wait3A_47] : memref<32x16xf32, #tpu.memory_space<hbm>> -> memref<1x16xf32, #tpu.memory_space<hbm>>
      %dma_wait3A_49 = tpu.memref_squeeze %dma_wait3A_48 : memref<1x16xf32, #tpu.memory_space<hbm>> -> memref<16xf32, #tpu.memory_space<hbm>>
      tpu.wait_dma2 semaphore(%run_scoped3A : memref<!tpu.dma_semaphore, #tpu.memory_space<semaphore_mem>>) src(%arg9 : memref<16xf32, #tpu.memory_space<vmem>>) dst(%dma_wait3A_49 : memref<16xf32, #tpu.memory_space<hbm>>)
      tpu.yield
    }) : () -> ()
    "tpu.region"() ({
      %run_scoped3A = tpu.sem_alloc : memref<!tpu.dma_semaphore, #tpu.memory_space<semaphore_mem>>
      %dma_start3A = arith.constant 0 : i32
      %dma_start3A_40 = tpu.memref_slice %arg5[%add3A, %dma_start3A] : memref<32x24576xf32, #tpu.memory_space<hbm>> -> memref<1x24576xf32, #tpu.memory_space<hbm>>
      %dma_start3A_41 = tpu.memref_squeeze %dma_start3A_40 : memref<1x24576xf32, #tpu.memory_space<hbm>> -> memref<24576xf32, #tpu.memory_space<hbm>>
      %dma_start3A_42 = arith.constant 0 : i32
      %dma_start3A_43 = tpu.memref_slice %arg5[%add3A, %dma_start3A_42] : memref<32x24576xf32, #tpu.memory_space<hbm>> -> memref<1x24576xf32, #tpu.memory_space<hbm>>
      %dma_start3A_44 = tpu.memref_squeeze %dma_start3A_43 : memref<1x24576xf32, #tpu.memory_space<hbm>> -> memref<24576xf32, #tpu.memory_space<hbm>>
      tpu.enqueue_dma source(%arg8 : memref<24576xf32, #tpu.memory_space<vmem>>) target(%dma_start3A_44 : memref<24576xf32, #tpu.memory_space<hbm>>) target_semaphore(%run_scoped3A : memref<!tpu.dma_semaphore, #tpu.memory_space<semaphore_mem>>)
      %dma_wait3A = arith.constant 0 : i32
      %dma_wait3A_45 = tpu.memref_slice %arg5[%add3A, %dma_wait3A] : memref<32x24576xf32, #tpu.memory_space<hbm>> -> memref<1x24576xf32, #tpu.memory_space<hbm>>
      %dma_wait3A_46 = tpu.memref_squeeze %dma_wait3A_45 : memref<1x24576xf32, #tpu.memory_space<hbm>> -> memref<24576xf32, #tpu.memory_space<hbm>>
      %dma_wait3A_47 = arith.constant 0 : i32
      %dma_wait3A_48 = tpu.memref_slice %arg5[%add3A, %dma_wait3A_47] : memref<32x24576xf32, #tpu.memory_space<hbm>> -> memref<1x24576xf32, #tpu.memory_space<hbm>>
      %dma_wait3A_49 = tpu.memref_squeeze %dma_wait3A_48 : memref<1x24576xf32, #tpu.memory_space<hbm>> -> memref<24576xf32, #tpu.memory_space<hbm>>
      tpu.wait_dma2 semaphore(%run_scoped3A : memref<!tpu.dma_semaphore, #tpu.memory_space<semaphore_mem>>) src(%arg8 : memref<24576xf32, #tpu.memory_space<vmem>>) dst(%dma_wait3A_49 : memref<24576xf32, #tpu.memory_space<hbm>>)
      tpu.yield
    }) : () -> ()
    return
  }
}

module attributes {stable_mosaic.version = 14 : i64} {
  func.func @_tc_body(%arg0: i32, %arg1: i32, %arg2: memref<1x128x1xf32, #tpu.memory_space<vmem>>, %arg3: memref<1x64x128xf32, #tpu.memory_space<vmem>>, %arg4: memref<1x1xf32, #tpu.memory_space<smem>>, %arg5: memref<192x8x128xf32, #tpu.memory_space<vmem>>) attributes {dimension_semantics = [#tpu.dimension_semantics<arbitrary>, #tpu.dimension_semantics<arbitrary>], iteration_bounds = array<i64: 3, 44>, scalar_prefetch = 0 : i64, scratch_operands = 0 : i64, tpu.core_type = #tpu.core_type<tc>, window_params = [{transform_indices = @transform_0, window_bounds = array<i64: 1, 128, 1>}, {transform_indices = @transform_1, window_bounds = array<i64: 1, 64, 128>}, {transform_indices = @transform_2, window_bounds = array<i64: 1, 1>}, {pipeline_mode = #tpu.pipeline_mode<synchronous>, transform_indices = @transform_3, window_bounds = array<i64: 192, 8, 128>}]} {
    %eq3A = arith.constant 0 : i32
    %eq3A_0 = arith.cmpi eq, %arg0, %eq3A : i32
    %eq3A_1 = arith.constant 0 : i32
    %eq3A_2 = arith.cmpi eq, %arg1, %eq3A_1 : i32
    %and3A = arith.andi %eq3A_0, %eq3A_2 : i1
    %convert_element_type3A = arith.extui %and3A : i1 to i32
    %cond3A = arith.constant 0 : i32
    %cond3A_3 = arith.cmpi ne, %convert_element_type3A, %cond3A : i32
    scf.if %cond3A_3 {
      %swap3A_26 = arith.constant 0.000000e+00 : f32
      %swap3A_27 = arith.constant 0 : index
      %swap3A_28 = arith.constant 0 : index
      %swap3A_29 = memref.load %arg4[%swap3A_27, %swap3A_28] : memref<1x1xf32, #tpu.memory_space<smem>>
      memref.store %swap3A_26, %arg4[%swap3A_27, %swap3A_28] : memref<1x1xf32, #tpu.memory_space<smem>>
      %broadcast_in_dim3A_30 = arith.constant 0x7F800000 : f32
      %broadcast_in_dim3A_31 = vector.broadcast %broadcast_in_dim3A_30 : f32 to vector<192x8x128xf32>
      %swap3A_32 = arith.constant 0 : index
      %swap3A_33 = arith.constant 0 : index
      %swap3A_34 = arith.constant 0 : index
      %swap3A_35 = vector.load %arg5[%swap3A_32, %swap3A_33, %swap3A_34] : memref<192x8x128xf32, #tpu.memory_space<vmem>>, vector<192x8x128xf32>
      tpu.vector_store %arg5[%swap3A_32, %swap3A_33, %swap3A_34], %broadcast_in_dim3A_31 {strides = array<i32>} : memref<192x8x128xf32, #tpu.memory_space<vmem>>, vector<192x8x128xf32>,
    } else {
    }
    %get3A = arith.constant 0 : index
    %get3A_4 = arith.constant 0 : index
    %get3A_5 = arith.constant 0 : index
    %get3A_6 = vector.load %arg2[%get3A, %get3A_4, %get3A_5] : memref<1x128x1xf32, #tpu.memory_space<vmem>>, vector<1x128x1xf32>
    %get3A_7 = vector.shape_cast %get3A_6 : vector<1x128x1xf32> to vector<128x1xf32>
    %broadcast_in_dim3A = vector.shape_cast %get3A_7 : vector<128x1xf32> to vector<128x1xf32>
    %broadcast_in_dim3A_8 = vector.broadcast %broadcast_in_dim3A : vector<128x1xf32> to vector<128x128xf32>
    %broadcast_in_dim3A_9 = arith.constant 0x7F800000 : f32
    %broadcast_in_dim3A_10 = vector.broadcast %broadcast_in_dim3A_9 : f32 to vector<128x128xf32>
    %scan3A = arith.constant 0 : i32
    %scan3A_11 = arith.constant 8 : i32
    %scan3A_12 = arith.addi %scan3A, %scan3A_11 : i32
    %scan3A_13 = arith.constant 1 : i32
    %scan3A_14 = scf.for %scan3A_26 = %scan3A to %scan3A_12 step %scan3A_13 iter_args(%scan3A_27 = %broadcast_in_dim3A_10) -> (vector<128x128xf32>)  : i32 {
      %mul3A = arith.constant 8 : i32
      %mul3A_28 = arith.muli %scan3A_26, %mul3A : i32
      %get3A_29 = arith.constant 0 : index
      %get3A_30 = arith.index_cast %mul3A_28 : i32 to index
      %get3A_31 = arith.constant 0 : index
      %get3A_32 = vector.load %arg3[%get3A_29, %get3A_30, %get3A_31] : memref<1x64x128xf32, #tpu.memory_space<vmem>>, vector<1x8x128xf32>
      %get3A_33 = vector.shape_cast %get3A_32 : vector<1x8x128xf32> to vector<8x128xf32>
      %slice3A = vector.extract_strided_slice %get3A_33 {offsets = [0, 0], sizes = [1, 128], strides = [1, 1]} : vector<8x128xf32> to vector<1x128xf32>
      %sub3A = vector.broadcast %slice3A : vector<1x128xf32> to vector<128x128xf32>
      %sub3A_34 = arith.subf %broadcast_in_dim3A_8, %sub3A : vector<128x128xf32>
      %abs3A = math.absf %sub3A_34 : vector<128x128xf32>
      %min3A = arith.minimumf %scan3A_27, %abs3A : vector<128x128xf32>
      %reshape3A = vector.shape_cast %abs3A : vector<128x128xf32> to vector<16x8x128xf32>
      %reduce_min3A_35 = arith.constant dense<0x7F800000> : vector<8x128xf32>
      %reduce_min3A_36 = vector.multi_reduction <minimumf>, %reshape3A, %reduce_min3A_35 [0] : vector<16x8x128xf32> to vector<8x128xf32>
      %slice3A_37 = vector.extract_strided_slice %get3A_33 {offsets = [1, 0], sizes = [1, 128], strides = [1, 1]} : vector<8x128xf32> to vector<1x128xf32>
      %sub3A_38 = vector.broadcast %slice3A_37 : vector<1x128xf32> to vector<128x128xf32>
      %sub3A_39 = arith.subf %broadcast_in_dim3A_8, %sub3A_38 : vector<128x128xf32>
      %abs3A_40 = math.absf %sub3A_39 : vector<128x128xf32>
      %min3A_41 = arith.minimumf %min3A, %abs3A_40 : vector<128x128xf32>
      %reshape3A_42 = vector.shape_cast %abs3A_40 : vector<128x128xf32> to vector<16x8x128xf32>
      %reduce_min3A_43 = arith.constant dense<0x7F800000> : vector<8x128xf32>
      %reduce_min3A_44 = vector.multi_reduction <minimumf>, %reshape3A_42, %reduce_min3A_43 [0] : vector<16x8x128xf32> to vector<8x128xf32>
      %slice3A_45 = vector.extract_strided_slice %get3A_33 {offsets = [2, 0], sizes = [1, 128], strides = [1, 1]} : vector<8x128xf32> to vector<1x128xf32>
      %sub3A_46 = vector.broadcast %slice3A_45 : vector<1x128xf32> to vector<128x128xf32>
      %sub3A_47 = arith.subf %broadcast_in_dim3A_8, %sub3A_46 : vector<128x128xf32>
      %abs3A_48 = math.absf %sub3A_47 : vector<128x128xf32>
      %min3A_49 = arith.minimumf %min3A_41, %abs3A_48 : vector<128x128xf32>
      %reshape3A_50 = vector.shape_cast %abs3A_48 : vector<128x128xf32> to vector<16x8x128xf32>
      %reduce_min3A_51 = arith.constant dense<0x7F800000> : vector<8x128xf32>
      %reduce_min3A_52 = vector.multi_reduction <minimumf>, %reshape3A_50, %reduce_min3A_51 [0] : vector<16x8x128xf32> to vector<8x128xf32>
      %slice3A_53 = vector.extract_strided_slice %get3A_33 {offsets = [3, 0], sizes = [1, 128], strides = [1, 1]} : vector<8x128xf32> to vector<1x128xf32>
      %sub3A_54 = vector.broadcast %slice3A_53 : vector<1x128xf32> to vector<128x128xf32>
      %sub3A_55 = arith.subf %broadcast_in_dim3A_8, %sub3A_54 : vector<128x128xf32>
      %abs3A_56 = math.absf %sub3A_55 : vector<128x128xf32>
      %min3A_57 = arith.minimumf %min3A_49, %abs3A_56 : vector<128x128xf32>
      %reshape3A_58 = vector.shape_cast %abs3A_56 : vector<128x128xf32> to vector<16x8x128xf32>
      %reduce_min3A_59 = arith.constant dense<0x7F800000> : vector<8x128xf32>
      %reduce_min3A_60 = vector.multi_reduction <minimumf>, %reshape3A_58, %reduce_min3A_59 [0] : vector<16x8x128xf32> to vector<8x128xf32>
      %slice3A_61 = vector.extract_strided_slice %get3A_33 {offsets = [4, 0], sizes = [1, 128], strides = [1, 1]} : vector<8x128xf32> to vector<1x128xf32>
      %sub3A_62 = vector.broadcast %slice3A_61 : vector<1x128xf32> to vector<128x128xf32>
      %sub3A_63 = arith.subf %broadcast_in_dim3A_8, %sub3A_62 : vector<128x128xf32>
      %abs3A_64 = math.absf %sub3A_63 : vector<128x128xf32>
      %min3A_65 = arith.minimumf %min3A_57, %abs3A_64 : vector<128x128xf32>
      %reshape3A_66 = vector.shape_cast %abs3A_64 : vector<128x128xf32> to vector<16x8x128xf32>
      %reduce_min3A_67 = arith.constant dense<0x7F800000> : vector<8x128xf32>
      %reduce_min3A_68 = vector.multi_reduction <minimumf>, %reshape3A_66, %reduce_min3A_67 [0] : vector<16x8x128xf32> to vector<8x128xf32>
      %slice3A_69 = vector.extract_strided_slice %get3A_33 {offsets = [5, 0], sizes = [1, 128], strides = [1, 1]} : vector<8x128xf32> to vector<1x128xf32>
      %sub3A_70 = vector.broadcast %slice3A_69 : vector<1x128xf32> to vector<128x128xf32>
      %sub3A_71 = arith.subf %broadcast_in_dim3A_8, %sub3A_70 : vector<128x128xf32>
      %abs3A_72 = math.absf %sub3A_71 : vector<128x128xf32>
      %min3A_73 = arith.minimumf %min3A_65, %abs3A_72 : vector<128x128xf32>
      %reshape3A_74 = vector.shape_cast %abs3A_72 : vector<128x128xf32> to vector<16x8x128xf32>
      %reduce_min3A_75 = arith.constant dense<0x7F800000> : vector<8x128xf32>
      %reduce_min3A_76 = vector.multi_reduction <minimumf>, %reshape3A_74, %reduce_min3A_75 [0] : vector<16x8x128xf32> to vector<8x128xf32>
      %slice3A_77 = vector.extract_strided_slice %get3A_33 {offsets = [6, 0], sizes = [1, 128], strides = [1, 1]} : vector<8x128xf32> to vector<1x128xf32>
      %sub3A_78 = vector.broadcast %slice3A_77 : vector<1x128xf32> to vector<128x128xf32>
      %sub3A_79 = arith.subf %broadcast_in_dim3A_8, %sub3A_78 : vector<128x128xf32>
      %abs3A_80 = math.absf %sub3A_79 : vector<128x128xf32>
      %min3A_81 = arith.minimumf %min3A_73, %abs3A_80 : vector<128x128xf32>
      %reshape3A_82 = vector.shape_cast %abs3A_80 : vector<128x128xf32> to vector<16x8x128xf32>
      %reduce_min3A_83 = arith.constant dense<0x7F800000> : vector<8x128xf32>
      %reduce_min3A_84 = vector.multi_reduction <minimumf>, %reshape3A_82, %reduce_min3A_83 [0] : vector<16x8x128xf32> to vector<8x128xf32>
      %slice3A_85 = vector.extract_strided_slice %get3A_33 {offsets = [7, 0], sizes = [1, 128], strides = [1, 1]} : vector<8x128xf32> to vector<1x128xf32>
      %sub3A_86 = vector.broadcast %slice3A_85 : vector<1x128xf32> to vector<128x128xf32>
      %sub3A_87 = arith.subf %broadcast_in_dim3A_8, %sub3A_86 : vector<128x128xf32>
      %abs3A_88 = math.absf %sub3A_87 : vector<128x128xf32>
      %min3A_89 = arith.minimumf %min3A_81, %abs3A_88 : vector<128x128xf32>
      %reshape3A_90 = vector.shape_cast %abs3A_88 : vector<128x128xf32> to vector<16x8x128xf32>
      %reduce_min3A_91 = arith.constant dense<0x7F800000> : vector<8x128xf32>
      %reduce_min3A_92 = vector.multi_reduction <minimumf>, %reshape3A_90, %reduce_min3A_91 [0] : vector<16x8x128xf32> to vector<8x128xf32>
      %stack3A = vector.shape_cast %reduce_min3A_36 : vector<8x128xf32> to vector<1x8x128xf32>
      %stack3A_93 = vector.shape_cast %reduce_min3A_44 : vector<8x128xf32> to vector<1x8x128xf32>
      %stack3A_94 = vector.shape_cast %reduce_min3A_52 : vector<8x128xf32> to vector<1x8x128xf32>
      %stack3A_95 = vector.shape_cast %reduce_min3A_60 : vector<8x128xf32> to vector<1x8x128xf32>
      %stack3A_96 = vector.shape_cast %reduce_min3A_68 : vector<8x128xf32> to vector<1x8x128xf32>
      %stack3A_97 = vector.shape_cast %reduce_min3A_76 : vector<8x128xf32> to vector<1x8x128xf32>
      %stack3A_98 = vector.shape_cast %reduce_min3A_84 : vector<8x128xf32> to vector<1x8x128xf32>
      %stack3A_99 = vector.shape_cast %reduce_min3A_92 : vector<8x128xf32> to vector<1x8x128xf32>
      %stack3A_100 = tpu.concatenate %stack3A, %stack3A_93, %stack3A_94, %stack3A_95, %stack3A_96, %stack3A_97, %stack3A_98, %stack3A_99 in 0 : vector<1x8x128xf32>, vector<1x8x128xf32>, vector<1x8x128xf32>, vector<1x8x128xf32>, vector<1x8x128xf32>, vector<1x8x128xf32>, vector<1x8x128xf32>, vector<1x8x128xf32> -> vector<8x8x128xf32>
      %mul3A_101 = arith.constant 64 : i32
      %mul3A_102 = arith.muli %arg0, %mul3A_101 : i32
      %mul3A_103 = arith.constant 8 : i32
      %mul3A_104 = arith.muli %scan3A_26, %mul3A_103 : i32
      %add3A_105 = arith.addi %mul3A_102, %mul3A_104 : i32
      %get3A_106 = arith.index_cast %add3A_105 : i32 to index
      %get3A_107 = arith.constant 0 : index
      %get3A_108 = arith.constant 0 : index
      %get3A_109 = vector.load %arg5[%get3A_106, %get3A_107, %get3A_108] : memref<192x8x128xf32, #tpu.memory_space<vmem>>, vector<8x8x128xf32>
      %min3A_110 = arith.minimumf %get3A_109, %stack3A_100 : vector<8x8x128xf32>
      %swap3A_111 = arith.index_cast %add3A_105 : i32 to index
      %swap3A_112 = arith.constant 0 : index
      %swap3A_113 = arith.constant 0 : index
      %swap3A_114 = vector.load %arg5[%swap3A_111, %swap3A_112, %swap3A_113] : memref<192x8x128xf32, #tpu.memory_space<vmem>>, vector<8x8x128xf32>
      tpu.vector_store %arg5[%swap3A_111, %swap3A_112, %swap3A_113], %min3A_110 {strides = array<i32>} : memref<192x8x128xf32, #tpu.memory_space<vmem>>, vector<8x8x128xf32>,
      scf.yield %min3A_89 : vector<128x128xf32>
    }
    %scan3A_15 = arith.constant 8 : i32
    %reduce_min3A = arith.constant dense<0x7F800000> : vector<128xf32>
    %reduce_min3A_16 = vector.multi_reduction <minimumf>, %scan3A_14, %reduce_min3A [1] : vector<128x128xf32> to vector<128xf32>
    %get3A_17 = arith.constant 0 : index
    %get3A_18 = arith.constant 0 : index
    %get3A_19 = memref.load %arg4[%get3A_17, %get3A_18] : memref<1x1xf32, #tpu.memory_space<smem>>
    %reduce_sum3A = vector.shape_cast %reduce_min3A_16 : vector<128xf32> to vector<1x128xf32>
    %reduce_sum3A_20 = arith.constant dense<0.000000e+00> : vector<1xf32>
    %reduce_sum3A_21 = vector.multi_reduction <add>, %reduce_sum3A, %reduce_sum3A_20 [1] : vector<1x128xf32> to vector<1xf32>
    %reduce_sum3A_22 = vector.shape_cast %reduce_sum3A_21 : vector<1xf32> to vector<1x1xf32>
    %reduce_sum3A_23 = vector.extract %reduce_sum3A_22[0, 0] : f32 from vector<1x1xf32>
    %add3A = arith.addf %get3A_19, %reduce_sum3A_23 : f32
    %swap3A = arith.constant 0 : index
    %swap3A_24 = arith.constant 0 : index
    %swap3A_25 = memref.load %arg4[%swap3A, %swap3A_24] : memref<1x1xf32, #tpu.memory_space<smem>>
    memref.store %add3A, %arg4[%swap3A, %swap3A_24] : memref<1x1xf32, #tpu.memory_space<smem>>
    return
  }
  func.func @transform_0(%arg0: i32, %arg1: i32) -> (i32, i32, i32) {
    %c0_i32 = arith.constant 0 : i32
    %c0_i32_0 = arith.constant 0 : i32
    return %arg0, %arg1, %c0_i32 : i32, i32, i32
  }
  func.func @transform_1(%arg0: i32, %arg1: i32) -> (i32, i32, i32) {
    %c0_i32 = arith.constant 0 : i32
    %c0_i32_0 = arith.constant 0 : i32
    %c0_i32_1 = arith.constant 0 : i32
    return %arg0, %c0_i32, %c0_i32_0 : i32, i32, i32
  }
  func.func @transform_2(%arg0: i32, %arg1: i32) -> (i32, i32) {
    %c0_i32 = arith.constant 0 : i32
    %c0_i32_0 = arith.constant 0 : i32
    %c0_i32_1 = arith.constant 0 : i32
    return %c0_i32, %c0_i32_0 : i32, i32
  }
  func.func @transform_3(%arg0: i32, %arg1: i32) -> (i32, i32, i32) {
    %c0_i32 = arith.constant 0 : i32
    %c0_i32_0 = arith.constant 0 : i32
    %c0_i32_1 = arith.constant 0 : i32
    %c0_i32_2 = arith.constant 0 : i32
    return %c0_i32, %c0_i32_0, %c0_i32_1 : i32, i32, i32
  }
}

module attributes {stable_mosaic.version = 14 : i64} {
  func.func @_combine_body(%arg0: i32, %arg1: memref<32x16xf32, #tpu.memory_space<vmem>>, %arg2: memref<1x1xf32, #tpu.memory_space<smem>>, %arg3: memref<1x8x128xf32, #tpu.memory_space<vmem>>, %arg4: memref<32x128xf32, #tpu.memory_space<vmem>>, %arg5: memref<1x1xf32, #tpu.memory_space<smem>>, %arg6: memref<1xf32, #tpu.memory_space<smem>>) attributes {dimension_semantics = [#tpu.dimension_semantics<arbitrary>], iteration_bounds = array<i64: 192>, scalar_prefetch = 0 : i64, scratch_operands = 1 : i64, tpu.core_type = #tpu.core_type<tc>, window_params = [{pipeline_mode = #tpu.pipeline_mode<synchronous>, transform_indices = @transform_0, window_bounds = array<i64: 32, 16>}, {transform_indices = @transform_1, window_bounds = array<i64: 1, 1>}, {transform_indices = @transform_2, window_bounds = array<i64: 1, 8, 128>}, {transform_indices = @transform_3, window_bounds = array<i64: 32, 128>}, {transform_indices = @transform_4, window_bounds = array<i64: 1, 1>}]} {
    %eq3A = arith.constant 0 : i32
    %eq3A_0 = arith.cmpi eq, %arg0, %eq3A : i32
    %convert_element_type3A = arith.extui %eq3A_0 : i1 to i32
    %cond3A = arith.constant 0 : i32
    %cond3A_1 = arith.cmpi ne, %convert_element_type3A, %cond3A : i32
    scf.if %cond3A_1 {
      %swap3A_25 = arith.constant 0.000000e+00 : f32
      %swap3A_26 = arith.constant 0 : index
      %swap3A_27 = memref.load %arg6[%swap3A_26] : memref<1xf32, #tpu.memory_space<smem>>
      memref.store %swap3A_25, %arg6[%swap3A_26] : memref<1xf32, #tpu.memory_space<smem>>
    } else {
    }
    %get3A = arith.constant 0 : index
    %get3A_2 = arith.constant 0 : index
    %get3A_3 = arith.constant 0 : index
    %get3A_4 = vector.load %arg3[%get3A, %get3A_2, %get3A_3] : memref<1x8x128xf32, #tpu.memory_space<vmem>>, vector<1x8x128xf32>
    %get3A_5 = vector.shape_cast %get3A_4 : vector<1x8x128xf32> to vector<8x128xf32>
    %reduce_min3A = arith.constant dense<0x7F800000> : vector<128xf32>
    %reduce_min3A_6 = vector.multi_reduction <minimumf>, %get3A_5, %reduce_min3A [0] : vector<8x128xf32> to vector<128xf32>
    %broadcast_in_dim3A = vector.shape_cast %reduce_min3A_6 : vector<128xf32> to vector<1x128xf32>
    %get3A_7 = arith.constant 0 : index
    %get3A_8 = arith.constant 0 : index
    %get3A_9 = vector.load %arg4[%get3A_7, %get3A_8] : memref<32x128xf32, #tpu.memory_space<vmem>>, vector<32x128xf32>
    %reduce_min3A_10 = arith.constant dense<0x7F800000> : vector<128xf32>
    %reduce_min3A_11 = vector.multi_reduction <minimumf>, %get3A_9, %reduce_min3A_10 [0] : vector<32x128xf32> to vector<128xf32>
    %broadcast_in_dim3A_12 = vector.shape_cast %reduce_min3A_11 : vector<128xf32> to vector<1x128xf32>
    %get3A_13 = arith.constant 0 : index
    %get3A_14 = memref.load %arg6[%get3A_13] : memref<1xf32, #tpu.memory_space<smem>>
    %min3A = arith.minimumf %broadcast_in_dim3A, %broadcast_in_dim3A_12 : vector<1x128xf32>
    %reduce_sum3A = vector.shape_cast %min3A : vector<1x128xf32> to vector<1x1x128xf32>
    %reduce_sum3A_15 = arith.constant dense<0.000000e+00> : vector<1xf32>
    %reduce_sum3A_16 = vector.multi_reduction <add>, %reduce_sum3A, %reduce_sum3A_15 [1, 2] : vector<1x1x128xf32> to vector<1xf32>
    %reduce_sum3A_17 = vector.shape_cast %reduce_sum3A_16 : vector<1xf32> to vector<1x1x1xf32>
    %reduce_sum3A_18 = vector.extract %reduce_sum3A_17[0, 0, 0] : f32 from vector<1x1x1xf32>
    %add3A = arith.addf %get3A_14, %reduce_sum3A_18 : f32
    %swap3A = arith.constant 0 : index
    %swap3A_19 = memref.load %arg6[%swap3A] : memref<1xf32, #tpu.memory_space<smem>>
    memref.store %add3A, %arg6[%swap3A] : memref<1xf32, #tpu.memory_space<smem>>
    %eq3A_20 = arith.constant 191 : i32
    %eq3A_21 = arith.cmpi eq, %arg0, %eq3A_20 : i32
    %convert_element_type3A_22 = arith.extui %eq3A_21 : i1 to i32
    %cond3A_23 = arith.constant 0 : i32
    %cond3A_24 = arith.cmpi ne, %convert_element_type3A_22, %cond3A_23 : i32
    scf.if %cond3A_24 {
      %get3A_25 = arith.constant 0 : index
      %get3A_26 = memref.load %arg6[%get3A_25] : memref<1xf32, #tpu.memory_space<smem>>
      %get3A_27 = arith.constant 0 : index
      %get3A_28 = arith.constant 0 : index
      %get3A_29 = memref.load %arg2[%get3A_27, %get3A_28] : memref<1x1xf32, #tpu.memory_space<smem>>
      %add3A_30 = arith.addf %get3A_26, %get3A_29 : f32
      %get3A_31 = arith.constant 0 : index
      %get3A_32 = arith.constant 0 : index
      %get3A_33 = vector.load %arg1[%get3A_31, %get3A_32] : memref<32x16xf32, #tpu.memory_space<vmem>>, vector<32x16xf32>
      %reduce_sum3A_34 = vector.shape_cast %get3A_33 : vector<32x16xf32> to vector<1x32x16xf32>
      %reduce_sum3A_35 = arith.constant dense<0.000000e+00> : vector<1xf32>
      %reduce_sum3A_36 = vector.multi_reduction <add>, %reduce_sum3A_34, %reduce_sum3A_35 [1, 2] : vector<1x32x16xf32> to vector<1xf32>
      %reduce_sum3A_37 = vector.shape_cast %reduce_sum3A_36 : vector<1xf32> to vector<1x1x1xf32>
      %reduce_sum3A_38 = vector.extract %reduce_sum3A_37[0, 0, 0] : f32 from vector<1x1x1xf32>
      %add3A_39 = arith.addf %add3A_30, %reduce_sum3A_38 : f32
      %div3A = arith.constant 8.192000e+03 : f32
      %div3A_40 = arith.divf %add3A_39, %div3A : f32
      %swap3A_41 = arith.constant 0 : index
      %swap3A_42 = arith.constant 0 : index
      %swap3A_43 = memref.load %arg5[%swap3A_41, %swap3A_42] : memref<1x1xf32, #tpu.memory_space<smem>>
      memref.store %div3A_40, %arg5[%swap3A_41, %swap3A_42] : memref<1x1xf32, #tpu.memory_space<smem>>
    } else {
    }
    return
  }
  func.func @transform_0(%arg0: i32) -> (i32, i32) {
    %c0_i32 = arith.constant 0 : i32
    %c0_i32_0 = arith.constant 0 : i32
    %c0_i32_1 = arith.constant 0 : i32
    return %c0_i32, %c0_i32_0 : i32, i32
  }
  func.func @transform_1(%arg0: i32) -> (i32, i32) {
    %c0_i32 = arith.constant 0 : i32
    %c0_i32_0 = arith.constant 0 : i32
    %c0_i32_1 = arith.constant 0 : i32
    return %c0_i32, %c0_i32_0 : i32, i32
  }
  func.func @transform_2(%arg0: i32) -> (i32, i32, i32) {
    %c0_i32 = arith.constant 0 : i32
    %c0_i32_0 = arith.constant 0 : i32
    %c0_i32_1 = arith.constant 0 : i32
    return %arg0, %c0_i32, %c0_i32_0 : i32, i32, i32
  }
  func.func @transform_3(%arg0: i32) -> (i32, i32) {
    %c0_i32 = arith.constant 0 : i32
    %c0_i32_0 = arith.constant 0 : i32
    return %c0_i32, %arg0 : i32, i32
  }
  func.func @transform_4(%arg0: i32) -> (i32, i32) {
    %c0_i32 = arith.constant 0 : i32
    %c0_i32_0 = arith.constant 0 : i32
    %c0_i32_1 = arith.constant 0 : i32
    return %c0_i32, %c0_i32_0 : i32, i32
  }
}

</mosaic_0001>

<sc_bundles>
// kernel: kernel.5.cloned.1.call-start
scs
__scs_entry_jumppad:
0x0: {  	(pc) =	sbr.rel $0x88, $3  }
0x1: {  	(tag) =	ssettag $0x0;
	lr =	simm.s32 $0x1  }
0x2: {  	[smem:$0x3F9F] =	sst lr;
	_ =	strace $0xD0000000  }
0x3: {  	_ = 	snop  }
0x4: {  	_ = 	snop  }
0x5: {  	_ = 	snop  }
0x6: {  	_ = 	snop  }
0x7: {  	_ = 	snop  }
__scs_overlays_trampoline_lowered:
0x8: {  	[smem:$0x3FAE] =	sst s0  }
0x9: {  	[smem:$0x3FAF] =	sst s1  }
0xa: {  	[smem:$0x3FB0] =	sst s2  }
0xb: {  	[smem:$0x3FB1] =	sst s3  }
0xc: {  	[smem:$0x3FB2] =	sst s4  }
0xd: {  	[smem:$0x3FB3] =	sst s5  }
0xe: {  	[smem:$0x3FB4] =	sst s6  }
0xf: {  	[smem:$0x3FB5] =	sst s7  }
0x10: {  	[smem:$0x3FB6] =	sst s8  }
0x11: {  	[smem:$0x3FB7] =	sst s9;
	s0 =	simm.s32 @!p0 $0x0  }
0x12: {  	s1 =	sld [smem:$0x3F9D];
	s0 =	simm.s32 @p0 $0x1  }
0x13: {  	[smem:$0x3FB8] =	sst s0;
	s0 =	simm.s32 @!p1 $0x0  }
0x14: {  	s2 =	sld [smem:$0x3F9C];
	s0 =	simm.s32 @p1 $0x1  }
0x15: {  	[smem:$0x3FB9] =	sst s0;
	s0 =	simm.s32 @!p2 $0x0  }
0x16: {  	s3 =	sld [smem:$0x3FDB];
	s0 =	simm.s32 @p2 $0x1  }
0x17: {  	s4 =	simm.s32 $0x1BF5;
	[smem:$0x3FBB] =	sst s0  }
0x18: {  	s0 =	sld [smem:$0x3F9E];
	_ =	swait.ge [sflag:s4], $0x0  }
0x19: {  	s7 =	sld [smem:$0x3F9F]  }
0x1a: {  	s8 =	sadd.s32 $0xFFFFE003, lr  }
0x1b: {  	s9 =	sadd.s32 $0xFFFFFEF7, lr;
	s5 =	simm.s32 $0xFFFFFFFF;
	p2 =	slt.u32 s8, $0xFFFFF086  }
0x1c: {  	p1 =	slt.u32 s9, $0xF7A;
	s5 =	simm.s32 @!p2 $0x0  }
0x1d: {  	s5 =	simm.s32 @p1 $0x1;
	p0 =	seq.s32 s7, s2  }
0x1e: {  	s7 =	smul.u32 @!p0 $0xF7A, s2;
	p2 =	seq.s32 @!p0 s5, $0x0  }
0x1f: {  	s9 =	smul.u32 $0xF7A, s1;
	s8 =	simm.s32 @!p0 $0x1BF5;
	p2 =	por !p2, p0  }
0x20: {  	[sflag:s8] =	ssyncset.s32 @!p0 $0xFFFFF086;
	s6 =	sadd.s32 @!p0 s3, s7;
	s7 =	simm.s32 @!p0 $0x108  }
0x21: {  	s3 =	sadd.s32 s3, s9;
	s6 =	sadd.s32 @!p0 $0x88, s6;
	s7 =	simm.s32 @p2 $0x1082  }
0x22: {  	[simem:s7], [sflag:s8] =	dma.local @!p0 [hbm:s6], $0xF7A  }
0x23: {  	s9 =	sor.u32 $0xD0000000, s2;
	s6 =	simm.s32 $0x108;
	_ =	swait.ge @!p0 [sflag:s8], $0x0  }
0x24: {  	s3 =	sadd.s32 $0x88, s3;
	s6 =	simm.s32 @!p1 $0x1082;
	[sflag:s4] =	ssyncset.s32 $0xFFFFF086  }
0x25: {  	[simem:s6], [sflag:s4] =	dma.local [hbm:s3], $0xF7A  }
0x26: {  	[smem:$0x3F9F] =	sst s1;
	(tag) =	ssettag s2;
	_ =	strace s9  }
0x27: {  	s1 =	sld [smem:$0x3FAF]  }
0x28: {  	s2 =	sld [smem:$0x3FB0]  }
0x29: {  	s4 =	sld [smem:$0x3FB2]  }
0x2a: {  	p0 =	seq.s32 s5, $0x0;
	s5 =	sld [smem:$0x3FB3]  }
0x2b: {  	s6 =	sld [smem:$0x3FB4]  }
0x2c: {  	s7 =	sld [smem:$0x3FB5]  }
0x2d: {  	s3 =	simm.s32 $0x108;
	s8 =	sld [smem:$0x3FB6]  }
0x2e: {  	s3 =	simm.s32 @!p0 $0x1082;
	s9 =	sld [smem:$0x3FB7]  }
0x2f: {  	lr =	sadd.s32 s0, s3;
	s0 =	sld [smem:$0x3FAE]  }
0x30: {  	s3 =	sld [smem:$0x3FB1]  }
0x31: {  	[smem:$0x3FBA] =	sst s10  }
0x32: {  	s10 =	sld [smem:$0x3FB8];
	_ =	sdelay $0x3  }
0x33: {  	p0 =	seq.s32 s10, $0x1;
	s10 =	sld [smem:$0x3FBA];
	_ =	sdelay $0x3  }
0x34: {  	[smem:$0x3FBA] =	sst s10  }
0x35: {  	s10 =	sld [smem:$0x3FB9];
	_ =	sdelay $0x3  }
0x36: {  	p1 =	seq.s32 s10, $0x1;
	s10 =	sld [smem:$0x3FBA];
	_ =	sdelay $0x3  }
0x37: {  	[smem:$0x3FBA] =	sst s10  }
0x38: {  	s10 =	sld [smem:$0x3FBB]  }
0x39: {  	_ = 	snop;
	(pc) =	sbr.ind lr, $3  }
0x3a: {  	_ = 	snop  }
0x3b: {  	_ = 	snop  }
0x3c: {  	p2 =	seq.s32 s10, $0x1;
	s10 =	sld [smem:$0x3FBA]  }
0x3d: {  	_ =	shalt  }
0x3e: {  	_ =	shalt  }
0x3f: {  	_ =	shalt  }
0x40: {  	_ =	shalt  }
0x41: {  	_ =	shalt  }
0x42: {  	_ =	shalt  }
0x43: {  	_ =	shalt  }
0x44: {  	_ =	shalt  }
0x45: {  	_ =	shalt  }
0x46: {  	_ =	shalt  }
0x47: {  	_ =	shalt  }
0x48: {  	_ =	shalt  }
0x49: {  	_ =	shalt  }
0x4a: {  	_ =	shalt  }
0x4b: {  	_ =	shalt  }
0x4c: {  	_ =	shalt  }
0x4d: {  	_ =	shalt  }
0x4e: {  	_ =	shalt  }
0x4f: {  	_ =	shalt  }
0x50: {  	_ =	shalt  }
0x51: {  	_ =	shalt  }
0x52: {  	_ =	shalt  }
0x53: {  	_ =	shalt  }
0x54: {  	_ =	shalt  }
0x55: {  	_ =	shalt  }
0x56: {  	_ =	shalt  }
0x57: {  	_ =	shalt  }
0x58: {  	_ =	shalt  }
0x59: {  	_ =	shalt  }
0x5a: {  	_ =	shalt  }
0x5b: {  	_ =	shalt  }
0x5c: {  	_ =	shalt  }
0x5d: {  	_ =	shalt  }
0x5e: {  	_ =	shalt  }
0x5f: {  	_ =	shalt  }
0x60: {  	_ =	shalt  }
0x61: {  	_ =	shalt  }
0x62: {  	_ =	shalt  }
0x63: {  	_ =	shalt  }
0x64: {  	_ =	shalt  }
0x65: {  	_ =	shalt  }
0x66: {  	_ =	shalt  }
0x67: {  	_ =	shalt  }
0x68: {  	_ =	shalt  }
0x69: {  	_ =	shalt  }
0x6a: {  	_ =	shalt  }
0x6b: {  	_ =	shalt  }
0x6c: {  	_ =	shalt  }
0x6d: {  	_ =	shalt  }
0x6e: {  	_ =	shalt  }
0x6f: {  	_ =	shalt  }
0x70: {  	_ =	shalt  }
0x71: {  	_ =	shalt  }
0x72: {  	_ =	shalt  }
0x73: {  	_ =	shalt  }
0x74: {  	_ =	shalt  }
0x75: {  	_ =	shalt  }
0x76: {  	_ =	shalt  }
0x77: {  	_ =	shalt  }
0x78: {  	_ =	shalt  }
0x79: {  	_ =	shalt  }
0x7a: {  	_ =	shalt  }
0x7b: {  	_ =	shalt  }
0x7c: {  	_ =	shalt  }
0x7d: {  	_ =	shalt  }
0x7e: {  	_ =	shalt  }
0x7f: {  	_ =	shalt  }
0x80: {  	_ =	shalt  }
0x81: {  	_ =	shalt  }
0x82: {  	_ =	shalt  }
0x83: {  	_ =	shalt  }
0x84: {  	_ =	shalt  }
0x85: {  	_ =	shalt  }
0x86: {  	_ =	shalt  }
0x87: {  	_ =	shalt  }
.Lfunc_end0:
.L_simem_size_0:
called_computation_lowered:
.L_overlay_start_0:
0x88: {  	s2 =	sld [smem:$0x3FD9]  }
0x89: {  	s3 =	sld [smem:$0x3FFE];
	_ =	sdelay $0x1  }
0x8a: {  	s1 =	srdreg.scid  }
0x8b: {  	s0 =	sand.u32 $0x1, s1  }
0x8c: {  	s16 =	sshll.u32 s0, $0xA;
	s2 =	sadd.s32 s3, s2  }
0x8d: {  	s2 =	sadd.s32 s2, s16  }
0x8e: {  	[smem:$0x3FC6] =	sst s2  }
0x8f: {  	_ = 	snop  }
0x90: {  	(tm) =	ssettm $0x1  }
0x91: {  	s17 =	sld [smem:$0x3FFB];
	_ =	sdelay $0x3  }
0x92: {  	_ =	strace s17  }
0x93: {  	s2 =	sld [smem:$0x3FFC];
	_ =	sdelay $0x3  }
0x94: {  	_ =	strace s2  }
0x95: {  	s2 =	sld [smem:$0x3FFD];
	_ =	sdelay $0x3  }
0x96: {  	_ =	strace s2  }
0x97: {  	_ =	strace $0x8FFFFFFF  }
0x98: {  	s18 =	sld [smem:$0x3FDB];
	_ =	sdelay $0x1  }
0x99: {  	s19 =	simm.s32 $_scs_section_size  }
0x9a: {  	s4 =	simm.s32 $_size__tile_overlayer_lowered;
	s5 =	simm.s32 $_tile_overlayer_lowered  }
0x9b: {  	s22 =	simm.s32 $0x1BFF;
	s21 =	sshll.u32 s5, $0x1;
	s2 =	sadd.s32 s19, s18  }
0x9c: {  	s6 =	simm.s32 $0x0;
	s20 =	sshll.u32 s4, $0x1;
	s4 =	sadd.s32 s21, s2  }
0x9d: {  	[timem:s6], [sflag:s22] =	dma.local [hbm:s4], s20  }
0x9e: {  	_ =	swait.ge [sflag:s22], s20  }
0x9f: {  	s3 =	ssub.s32 $0x0, s20;
	[sflag:s22] =	ssyncset.done $0x0  }
0xa0: {  	[sflag:s22] =	ssyncadd.s32 s3;
	_ =	sdelay $0x1  }
0xa1: {  	s23 =	simm.s32 $0x1B8B  }
0xa2: {  	_ =	swait.ge [sflag:s23], $0x1  }
0xa3: {  	[sflag:s23] =	ssyncset.done $0x0  }
0xa4: {  	s25 =	simm.s32 $0x1B8E;
	s24 =	sld [smem:$0x3FFE];
	[sflag:s23] =	ssyncadd.s32 $0xFFFFFFFF  }
0xa5: {  	s26 =	simm.s32 $execute0_lowered;
	[smem:$0x3FD2] =	sst s25  }
0xa6: {  	s4 =	sshll.u32 s26, $0x1;
	_ =	strace $0x80000046;
	[dreg:$0x1] =	wrdreg $0xFFFFFFFF  }
0xa7: {  	s28 =	simm.s32 $_size_execute0_lowered;
	s2 =	sadd.s32 s2, s4;
	[dreg:$0x0] =	wrdreg $0x0  }
0xa8: {  	s4 =	sshll.u32 s28, $0x1;
	[dreg:$0x2] =	wrdreg s2  }
0xa9: {  	[dreg:$0x3] =	wrdreg s4  }
0xaa: {  	[dreg:$0x4] =	wrdreg $0xC0  }
0xab: {  	_ =	task [dreg:s6], $0x5FFFF  }
0xac: {  	[dreg:$0x1] =	wrdreg $0xFFFFFFFF  }
0xad: {  	[dreg:$0x0] =	wrdreg $0x60  }
0xae: {  	[dreg:$0x2] =	wrdreg s24  }
0xaf: {  	[dreg:$0x3] =	wrdreg $0x9  }
0xb0: {  	_ =	task.clear_ibuf [dreg:s6], $0x4FFFF;
	_ =	strace $0x90000046  }
0xb1: {  	s29 =	simm.s32 $0x9;
	_ =	strace $0x80000048  }
0xb2: {  	_ =	swait.ge [sflag:s29], $0x1  }
0xb3: {  	[sflag:s29] =	ssyncadd.s32 $0xFFFFFFFF  }
0xb4: {  	_ =	strace $0x90000048  }
0xb5: {  	_ =	sfence  }
0xb6: {  	s30 =	sld [smem:$0x0];
	_ =	sdelay $0x2  }
0xb7: {  	s31 =	sshll.u32 s1, $0xD;
	s1 =	sshrl.u32 s1, $0x2  }
0xb8: {  	s3 =	sand.u32 $0x4000, s31;
	s1 =	sadd.s32 s1, s30  }
0xb9: {  	s0 =	sor.u32 s3, s0;
	s1 =	sshll.u32 s1, $0x11  }
0xba: {  	s0 =	sor.u32 s1, s0  }
0xbb: {  	s0 =	sadd.s32 $0x8F2B, s0  }
0xbc: {  	[sflag:s0] =	ssyncadd.remote.s32 $0x1  }
0xbd: {  	_ =	sfence.sel $0xFFFF  }
0xbe: {  	[dreg:$0x0] =	wrdreg $0xFFFFFFFF;
	(pc) =	sbr.abs _section_cstart, $3  }
0xbf: {  	[dreg:$0x1] =	wrdreg $0xFFFFFFFF  }
0xc0: {  	_ =	task.clear_ibuf [dreg:s6], $0x2FFFF;
	_ =	strace $0x9FFFFFFF  }
0xc1: {  	(tm) =	ssettm $0x7FFFFFFF  }
tec
execute0_lowered:
.L_overlay_start_1:
0x0: {  	(tag) =	ssettag $0x1  }
0x1: {  	s1 =	srdreg.scid  }
0x2: {  	s0 =	stileid.u32;
	s5 =	rddreg [dreg:$0x0];
	s2 =	simm.s32 $0x0  }
0x3: {  	s10 =	simm.s32 $0x1;
	s11 =	simm.s32 $0x50;
	s12 =	simm.s32 $0xA0  }
0x4: {  	s13 =	simm.s32 $0x100;
	s14 =	simm.s32 $0xC100;
	s15 =	simm.s32 $0x80  }
0x5: {  	s16 =	simm.s32 $0x400;
	s17 =	simm.s32 $0x6100;
	s18 =	simm.s32 $0x0  }
0x6: {  	s4 =	sand.u32 $0x1, s1;
	s30 =	sshll.u32 s0, $0x1;
	s1 =	rddreg [dreg:$0x1]  }
0x7: {  	[smem:$0x7FF] =	sst s2;
	s7 =	sshrl.u32 s0, $0x2;
	s3 =	sor.u32 s4, s30  }
0x8: {  	_ =	strace $0x80000047;
	s9 =	smul.u32 $0x30000, s7;
	s7 =	sshll.u32 s7, $0xA  }
0x9: {  	s4 =	ssub.s32 $0x2, s4;
	s6 =	smul.u32 $0x50, s3;
	s8 =	sshll.u32 s3, $0x7  }
0xa: {  	s3 =	sadd.s32 $0x1C00, s5;
	s31 =	sshrl.u32 s4, $0x1;
	s8 =	sand.u32 $0x380, s8  }
0xb: {  	s6 =	sshrl.u32 s6, $0x3;
	s7 =	sor.u32 s7, s8;
	s8 =	sor.u32 s9, s8  }
0xc: {  	s9 =	ssub.s32 s4, s31;
	s6 =	sadd.s32 s6, s5;
	s7 =	sshrl.u32 s7, $0x3  }
0xd: {  	v0 =	vimm.f32 $+Inf;
	s8 =	sshrl.u32 s8, $0x3;
	s9 =	smax.u32 s9, $0x1;
	s7 =	sadd.s32 s7, s5  }
0xe: {  	v12 =	vimm.s32 $0xB;
	v13 =	vimm.s32 $0xC;
	v14 =	vimm.s32 $0xD;
	s8 =	sadd.s32 s8, s5;
	s4 =	sadd.s32 $0x12C0, s6;
	s5 =	sadd.s32 $0x16C0, s6  }
0xf: {  	v15 =	vimm.s32 $0xE;
	v16 =	vimm.s32 $0xF;
	vm0 =	vmmov $0x1;
	s6 =	sadd.s32 $0x1AC0, s6;
	s7 =	sadd.s32 $0x1A800, s7;
	s8 =	sadd.s32 $0x2800, s8  }
.LBB2_1:
0x10: {  	[tilespmem:s2], [sflag:$0x1] =	stream.linear.gather [hbm4b:s4+s2], $0x50, $0x38;
	[tilespmem:$0xC180] =	vst v63  }
0x11: {  	_ =	swait.ge [sflag:s10], $0x50  }
0x12: {  	[sflag:s10] =	ssyncset.done $0x0  }
0x13: {  	[sflag:s10] =	ssyncadd.s32 $0xFFFFFFB0  }
0x14: {  	[tilespmem:s11], [sflag:$0x1] =	stream.linear.gather [hbm4b:s5+s2], $0x50, $0x38;
	[tilespmem:$0xC180] =	vst v63  }
0x15: {  	_ =	swait.ge [sflag:s10], $0x50  }
0x16: {  	[sflag:s10] =	ssyncset.done $0x0  }
0x17: {  	[sflag:s10] =	ssyncadd.s32 $0xFFFFFFB0  }
0x18: {  	[tilespmem:s12], [sflag:$0x1] =	stream.linear.gather [hbm4b:s6+s2], $0x50, $0x38;
	[tilespmem:$0xC180] =	vst v63  }
0x19: {  	_ =	swait.ge [sflag:s10], $0x50  }
0x1a: {  	[sflag:s10] =	ssyncset.done $0x0  }
0x1b: {  	[sflag:s10] =	ssyncadd.s32 $0xFFFFFFB0  }
0x1c: {  	[tilespmem:s13], [sflag:$0x1] =	stream.linear.gather [hbm4b:s3+s2], $0x6000, $0x38;
	[tilespmem:$0xC180] =	vst v63  }
0x1d: {  	_ =	swait.ge [sflag:s10], $0x6000  }
0x1e: {  	[sflag:s10] =	ssyncset.done $0x0  }
0x1f: {  	s19 =	simm.s32 $0x6140;
	[sflag:s10] =	ssyncadd.s32 $0xFFFFA000  }
0x20: {  	[tilespmem:s19+$0xFFFFFFC0] =	vst v0  }
0x21: {  	[tilespmem:s19+$0x30] =	vst v0  }
0x22: {  	[tilespmem:s19+$0x20] =	vst v0  }
0x23: {  	[tilespmem:s19+$0x10] =	vst v0  }
0x24: {  	[tilespmem:s19+$0x0] =	vst v0  }
0x25: {  	[tilespmem:s19+$0xFFFFFFF0] =	vst v0  }
0x26: {  	s20 =	simm.s32 $0x0;
	[tilespmem:s19+$0xFFFFFFE0] =	vst v0  }
.LBB2_2:
0x27: {  	s20 =	sadd.s32 $0x8, s20;
	[tilespmem:s19+$0xFFFFFFD0] =	vst v0;
	s19 =	sadd.s32 $0x80, s19;
	v17 =	vimm.f32 $0.0e+00  }
0x28: {  	[tilespmem:s19+$0xFFFFFFC0] =	vst v0;
	p0 =	slt.u32 s20, $0x5F8  }
0x29: {  	[tilespmem:s19+$0x30] =	vst v0  }
.Ltmp0:
0x2a: {  	[tilespmem:s19+$0x20] =	vst v0;
	(pc) =	sbr.rel @p0 .LBB2_2-.Ltmp0, $4  }
0x2b: {  	[tilespmem:s19+$0x10] =	vst v0  }
0x2c: {  	[tilespmem:s19+$0x0] =	vst v0  }
0x2d: {  	[tilespmem:s19+$0xFFFFFFF0] =	vst v0  }
0x2e: {  	[tilespmem:s19+$0xFFFFFFE0] =	vst v0  }
0x2f: {  	[tilespmem:s19+$0xFFFFFFD0] =	vst v0;
	s20 =	simm.s32 $0x0  }
.LBB2_4:
0x30: {  	s19 =	sshll.u32 s20, $0x4  }
0x31: {  	s19 =	sand.u32 $0x3FFFFFF0, s19  }
0x32: {  	v1 =	vimm.s32 $0x0;
	v49 =	vimm.f32 $+Inf;
	v50 =	vimm.f32 $+Inf;
	v18 =	vld [tilespmem:s19+$0x0]  }
0x33: {  	v48 =	vimm.f32 $+Inf;
	v47 =	vimm.f32 $+Inf;
	v46 =	vimm.f32 $+Inf  }
0x34: {  	v44 =	vimm.f32 $+Inf;
	v42 =	vimm.f32 $+Inf;
	v41 =	vimm.f32 $+Inf;
	s19 =	simm.s32 $0x0  }
0x35: {  	v39 =	vimm.f32 $+Inf;
	v33 =	vimm.f32 $+Inf;
	v28 =	vimm.f32 $+Inf;
	v22 =	vld [tilespmem:s19+$0x100]  }
0x36: {  	v25 =	vimm.f32 $+Inf;
	v24 =	vimm.f32 $+Inf;
	v23 =	vimm.f32 $+Inf  }
0x37: {  	v21 =	vimm.f32 $+Inf;
	v26 =	vperm.xlane v18, v1;
	v40 =	vperm.xlane v18, v12  }
0x38: {  	v1 =	vimm.s32 $0x1;
	v43 =	vperm.xlane v18, v13;
	v45 =	vperm.xlane v18, v14  }
0x39: {  	v19 =	vperm.xlane v18, v15;
	v27 =	vperm.xlane v18, v1;
	v1 =	vimm.s32 $0x2  }
0x3a: {  	v29 =	vperm.xlane v18, v1;
	v1 =	vimm.s32 $0x3;
	v53 =	vsub.f32 v22, v40  }
0x3b: {  	v52 =	vsub.f32 v22, v43;
	v30 =	vperm.xlane v18, v1;
	v1 =	vimm.s32 $0x4  }
0x3c: {  	v51 =	vsub.f32 v22, v45;
	v31 =	vperm.xlane v18, v1;
	v1 =	vimm.s32 $0x5  }
0x3d: {  	v62 =	vsub.f32 v22, v27;
	v32 =	vperm.xlane v18, v1;
	v1 =	vimm.s32 $0x6  }
0x3e: {  	v63 =	vsub.f32 v22, v29;
	v34 =	vperm.xlane v18, v1;
	v1 =	vimm.s32 $0x7  }
0x3f: {  	v60 =	vsub.f32 v22, v30;
	v35 =	vperm.xlane v18, v1;
	v1 =	vimm.s32 $0x8  }
0x40: {  	v61 =	vsub.f32 v22, v31;
	v36 =	vperm.xlane v18, v1;
	v1 =	vimm.s32 $0x9  }
0x41: {  	v58 =	vsub.f32 v22, v32;
	v37 =	vperm.xlane v18, v1;
	v1 =	vimm.s32 $0xA  }
0x42: {  	v59 =	vsub.f32 v22, v34;
	v56 =	vsub.f32 v22, v35;
	v38 =	vperm.xlane v18, v1  }
0x43: {  	v1 =	vsub.f32 v22, v26;
	v57 =	vsub.f32 v22, v36;
	v18 =	vperm.xlane v18, v16  }
0x44: {  	s21 =	simm.s32 $0x40;
	v20 =	vimm.f32 $+Inf;
	v55 =	vsub.f32 v22, v37;
	v54 =	vsub.f32 v22, v38  }
.LBB2_5:
0x45: {  	p0 =	sne.s32 s21, $0x7FC0;
	v1 =	vand.u32 $0x7FFFFFFF, v1;
	v2 =	vsub.f32 v22, v19;
	v22 =	vsub.f32 v22, v18  }
0x46: {  	v62 =	vand.u32 $0x7FFFFFFF, v62;
	v63 =	vand.u32 $0x7FFFFFFF, v63;
	v60 =	vand.u32 $0x7FFFFFFF, v60  }
0x47: {  	v61 =	vand.u32 $0x7FFFFFFF, v61;
	v58 =	vand.u32 $0x7FFFFFFF, v58;
	v59 =	vand.u32 $0x7FFFFFFF, v59  }
0x48: {  	v56 =	vand.u32 $0x7FFFFFFF, v56;
	v57 =	vand.u32 $0x7FFFFFFF, v57;
	v55 =	vand.u32 $0x7FFFFFFF, v55  }
0x49: {  	v54 =	vand.u32 $0x7FFFFFFF, v54;
	v53 =	vand.u32 $0x7FFFFFFF, v53;
	v52 =	vand.u32 $0x7FFFFFFF, v52  }
0x4a: {  	v51 =	vand.u32 $0x7FFFFFFF, v51;
	v2 =	vand.u32 $0x7FFFFFFF, v2;
	v3 =	vand.u32 $0x7FFFFFFF, v22  }
0x4b: {  	v4 =	vmin.f32 v63, v60;
	v5 =	vmin.f32 v61, v58;
	v22 =	vmin.f32 v1, v62  }
0x4c: {  	v6 =	vmin.f32 v59, v56;
	v7 =	vmin.f32 v57, v55;
	v8 =	vmin.f32 v54, v53;
	v9 =	vld [tilespmem:s19+$0x6100]  }
0x4d: {  	v10 =	vmin.f32 v52, v51;
	v11 =	vmin.f32 v2, v3;
	v4 =	vmin.f32 v22, v4  }
0x4e: {  	s22 =	sshra.s32 s21, $0x2;
	v5 =	vmin.f32 v5, v6;
	v6 =	vmin.f32 v7, v8;
	v7 =	vmin.f32 v10, v11  }
0x4f: {  	v49 =	vmin.f32 v49, v1;
	v4 =	vmin.f32 v4, v5;
	v5 =	vmin.f32 v6, v7;
	v22 =	vld [tilespmem:s22+$0x100]  }
0x50: {  	v50 =	vmin.f32 v50, v62;
	v48 =	vmin.f32 v48, v63;
	v1 =	vmin.f32 v4, v5  }
0x51: {  	v47 =	vmin.f32 v47, v60;
	v46 =	vmin.f32 v46, v61;
	v1 =	vmin.f32 v9, v1  }
0x52: {  	v44 =	vmin.f32 v44, v58;
	v42 =	vmin.f32 v42, v59;
	v41 =	vmin.f32 v41, v56;
	[tilespmem:s19+$0x6100] =	vst v1;
	s19 =	smov.u32 s22  }
0x53: {  	v39 =	vmin.f32 v39, v57;
	v33 =	vmin.f32 v33, v55;
	v28 =	vmin.f32 v28, v54  }
0x54: {  	v25 =	vmin.f32 v25, v53;
	v1 =	vsub.f32 v22, v26;
	v62 =	vsub.f32 v22, v27  }
0x55: {  	v24 =	vmin.f32 v24, v52;
	v63 =	vsub.f32 v22, v29;
	v60 =	vsub.f32 v22, v30  }
.Ltmp1:
0x56: {  	v23 =	vmin.f32 v23, v51;
	v61 =	vsub.f32 v22, v31;
	v58 =	vsub.f32 v22, v32;
	(pc) =	sbr.rel @p0 .LBB2_5-.Ltmp1, $4  }
0x57: {  	v21 =	vmin.f32 v21, v2;
	v59 =	vsub.f32 v22, v34;
	v56 =	vsub.f32 v22, v35  }
0x58: {  	v20 =	vmin.f32 v20, v3;
	v57 =	vsub.f32 v22, v36;
	v55 =	vsub.f32 v22, v37  }
0x59: {  	v54 =	vsub.f32 v22, v38;
	v53 =	vsub.f32 v22, v40  }
0x5a: {  	s21 =	sadd.s32 $0x40, s21;
	v52 =	vsub.f32 v22, v43;
	v51 =	vsub.f32 v22, v45  }
0x5b: {  	v1 =	vand.u32 $0x7FFFFFFF, v1  }
0x5c: {  	v2 =	vmin.f32 v49, v1  }
0x5d: {  	v3 =	vand.u32 $0x7FFFFFFF, v62;
	(xrf1) =	vsort.ascd.msk.f32 $0xffff, v2, v2  }
0x5e: {  	v2 =	vmin.f32 v50, v3  }
0x5f: {  	(xrf1) =	vsort.ascd.msk.f32 $0xffff, v2, v2;
	_ =	sdelay $0x1  }
0x60: {  	v4 =	vand.u32 $0x7FFFFFFF, v63  }
0x61: {  	v2 =	vmin.f32 v48, v4  }
0x62: {  	(xrf1) =	vsort.ascd.msk.f32 $0xffff, v2, v2;
	_ =	sdelay $0x1  }
0x63: {  	v5 =	vand.u32 $0x7FFFFFFF, v60  }
0x64: {  	v2 =	vmin.f32 v47, v5  }
0x65: {  	(xrf1) =	vsort.ascd.msk.f32 $0xffff, v2, v2;
	_ =	sdelay $0x1  }
0x66: {  	v6 =	vand.u32 $0x7FFFFFFF, v61  }
0x67: {  	v2 =	vmin.f32 v46, v6  }
0x68: {  	(xrf1) =	vsort.ascd.msk.f32 $0xffff, v2, v2;
	v11, _, _ =	vpop (xrf1)  }
0x69: {  	v11 =	vnsel vm0, $0x0, v11  }
0x6a: {  	v7 =	vand.u32 $0x7FFFFFFF, v58;
	v11 =	vadd.f32 v11, v17;
	v17, _, _ =	vpop (xrf1)  }
0x6b: {  	v2 =	vmin.f32 v44, v7;
	v17 =	vnsel vm0, $0x0, v17  }
0x6c: {  	(xrf1) =	vsort.ascd.msk.f32 $0xffff, v2, v2;
	_ =	sdelay $0x1  }
0x6d: {  	v8 =	vand.u32 $0x7FFFFFFF, v59;
	v11 =	vadd.f32 v17, v11;
	v17, _, _ =	vpop (xrf1)  }
0x6e: {  	v2 =	vmin.f32 v42, v8;
	v17 =	vnsel vm0, $0x0, v17  }
0x6f: {  	(xrf1) =	vsort.ascd.msk.f32 $0xffff, v2, v2;
	_ =	sdelay $0x1  }
0x70: {  	v9 =	vand.u32 $0x7FFFFFFF, v56;
	v11 =	vadd.f32 v17, v11;
	v17, _, _ =	vpop (xrf1)  }
0x71: {  	v2 =	vmin.f32 v41, v9;
	v17 =	vnsel vm0, $0x0, v17  }
0x72: {  	(xrf1) =	vsort.ascd.msk.f32 $0xffff, v2, v2;
	_ =	sdelay $0x1  }
0x73: {  	v10 =	vand.u32 $0x7FFFFFFF, v57;
	v11 =	vadd.f32 v17, v11;
	v17, _, _ =	vpop (xrf1)  }
0x74: {  	v2 =	vmin.f32 v39, v10;
	v17 =	vnsel vm0, $0x0, v17  }
0x75: {  	v26 =	vand.u32 $0x7FFFFFFF, v55;
	(xrf1) =	vsort.ascd.msk.f32 $0xffff, v2, v2  }
0x76: {  	v2 =	vmin.f32 v33, v26  }
0x77: {  	v27 =	vand.u32 $0x7FFFFFFF, v54;
	(xrf1) =	vsort.ascd.msk.f32 $0xffff, v2, v2;
	v11 =	vadd.f32 v17, v11;
	v17, _, _ =	vpop (xrf1)  }
0x78: {  	v2 =	vmin.f32 v28, v27;
	v17 =	vnsel vm0, $0x0, v17  }
0x79: {  	v47 =	vand.u32 $0x7FFFFFFF, v53;
	(xrf1) =	vsort.ascd.msk.f32 $0xffff, v2, v2  }
0x7a: {  	v2 =	vmin.f32 v25, v47  }
0x7b: {  	v48 =	vand.u32 $0x7FFFFFFF, v52;
	(xrf1) =	vsort.ascd.msk.f32 $0xffff, v2, v2;
	v11 =	vadd.f32 v17, v11;
	v17, _, _ =	vpop (xrf1)  }
0x7c: {  	v2 =	vmin.f32 v24, v48;
	v17 =	vnsel vm0, $0x0, v17  }
0x7d: {  	v19 =	vsub.f32 v22, v19;
	v49 =	vand.u32 $0x7FFFFFFF, v51;
	(xrf1) =	vsort.ascd.msk.f32 $0xffff, v2, v2  }
0x7e: {  	v2 =	vmin.f32 v23, v49  }
0x7f: {  	v18 =	vsub.f32 v22, v18;
	v19 =	vand.u32 $0x7FFFFFFF, v19;
	(xrf1) =	vsort.ascd.msk.f32 $0xffff, v2, v2;
	v11 =	vadd.f32 v17, v11;
	v17, _, _ =	vpop (xrf1)  }
0x80: {  	v2 =	vmin.f32 v21, v19;
	v17 =	vnsel vm0, $0x0, v17  }
0x81: {  	v18 =	vand.u32 $0x7FFFFFFF, v18;
	(xrf1) =	vsort.ascd.msk.f32 $0xffff, v2, v2  }
0x82: {  	v2 =	vmin.f32 v20, v18  }
0x83: {  	v11 =	vadd.f32 v17, v11;
	v17, _, _ =	vpop (xrf1);
	(xrf1) =	vsort.ascd.msk.f32 $0xffff, v2, v2  }
0x84: {  	v2 =	vnsel vm0, $0x0, v17  }
0x85: {  	v17, _, _ =	vpop (xrf1);
	v2 =	vadd.f32 v2, v11  }
0x86: {  	v50 =	vnsel vm0, $0x0, v17  }
0x87: {  	v17, _, _ =	vpop (xrf1);
	v2 =	vadd.f32 v50, v2  }
0x88: {  	v1 =	vmin.f32 v1, v3;
	v54 =	vmin.f32 v8, v9;
	v51 =	vnsel vm0, $0x0, v17  }
0x89: {  	v55 =	vmin.f32 v10, v26;
	v3 =	vmin.f32 v4, v5;
	v17, _, _ =	vpop (xrf1);
	v2 =	vadd.f32 v51, v2  }
0x8a: {  	v1 =	vmin.f32 v1, v3;
	v59 =	vmin.f32 v48, v49;
	v52 =	vnsel vm0, $0x0, v17  }
0x8b: {  	v6 =	vmin.f32 v6, v7;
	v56 =	vmin.f32 v27, v47;
	v53, _, _ =	vpop (xrf1);
	v2 =	vadd.f32 v52, v2  }
0x8c: {  	v3 =	vmin.f32 v6, v54;
	v17 =	vmin.f32 v19, v18;
	v5 =	vnsel vm0, $0x0, v53  }
0x8d: {  	v58 =	vld [tilespmem:s19+$0x6100];
	s20 =	sadd.s32 $0x1, s20;
	v4 =	vmin.f32 v55, v56;
	v62 =	vmin.f32 v59, v17;
	v57, _, _ =	vpop (xrf1);
	v2 =	vadd.f32 v5, v2  }
0x8e: {  	p0 =	sne.s32 s20, $0x5;
	v1 =	vmin.f32 v1, v3;
	v3 =	vmin.f32 v4, v62;
	v60 =	vnsel vm0, $0x0, v57  }
.Ltmp2:
0x8f: {  	v61, _, _ =	vpop (xrf1);
	v2 =	vadd.f32 v60, v2;
	(pc) =	sbr.rel @p0 .LBB2_4-.Ltmp2, $4  }
0x90: {  	v63 =	vnsel vm0, $0x0, v61  }
0x91: {  	v1 =	vmin.f32 v1, v3;
	v2 =	vadd.f32 v63, v2;
	v3, _, _ =	vpop (xrf1)  }
0x92: {  	v1 =	vmin.f32 v58, v1;
	v3 =	vnsel vm0, $0x0, v3  }
0x93: {  	[tilespmem:s19+$0x6100] =	vst v1;
	s19 =	simm.s32 $0x0;
	v17 =	vadd.f32 v3, v2  }
.LBB2_7:
0x94: {  	s20 =	sshll.u32 s19, $0x4  }
0x95: {  	s20 =	sand.u32 $0x3FFFFFF0, s20  }
0x96: {  	v1 =	vimm.s32 $0x0;
	v49 =	vimm.f32 $+Inf;
	v50 =	vimm.f32 $+Inf;
	v2 =	vld [tilespmem:s20+$0x50]  }
0x97: {  	v48 =	vimm.f32 $+Inf;
	v47 =	vimm.f32 $+Inf;
	v46 =	vimm.f32 $+Inf  }
0x98: {  	v44 =	vimm.f32 $+Inf;
	v42 =	vimm.f32 $+Inf;
	v41 =	vimm.f32 $+Inf;
	s20 =	simm.s32 $0x0  }
0x99: {  	v39 =	vimm.f32 $+Inf;
	v33 =	vimm.f32 $+Inf;
	v28 =	vimm.f32 $+Inf;
	v22 =	vld [tilespmem:s20+$0x2100]  }
0x9a: {  	v25 =	vimm.f32 $+Inf;
	v24 =	vimm.f32 $+Inf;
	v23 =	vimm.f32 $+Inf  }
0x9b: {  	v21 =	vimm.f32 $+Inf;
	v26 =	vperm.xlane v2, v1;
	v40 =	vperm.xlane v2, v12  }
0x9c: {  	v1 =	vimm.s32 $0x1;
	v43 =	vperm.xlane v2, v13;
	v45 =	vperm.xlane v2, v14  }
0x9d: {  	v19 =	vperm.xlane v2, v15;
	v27 =	vperm.xlane v2, v1;
	v1 =	vimm.s32 $0x2  }
0x9e: {  	v29 =	vperm.xlane v2, v1;
	v1 =	vimm.s32 $0x3;
	v53 =	vsub.f32 v22, v40  }
0x9f: {  	v52 =	vsub.f32 v22, v43;
	v30 =	vperm.xlane v2, v1;
	v1 =	vimm.s32 $0x4  }
0xa0: {  	v51 =	vsub.f32 v22, v45;
	v31 =	vperm.xlane v2, v1;
	v1 =	vimm.s32 $0x5  }
0xa1: {  	v62 =	vsub.f32 v22, v27;
	v32 =	vperm.xlane v2, v1;
	v1 =	vimm.s32 $0x6  }
0xa2: {  	v63 =	vsub.f32 v22, v29;
	v34 =	vperm.xlane v2, v1;
	v1 =	vimm.s32 $0x7  }
0xa3: {  	v60 =	vsub.f32 v22, v30;
	v35 =	vperm.xlane v2, v1;
	v1 =	vimm.s32 $0x8  }
0xa4: {  	v61 =	vsub.f32 v22, v31;
	v36 =	vperm.xlane v2, v1;
	v1 =	vimm.s32 $0x9  }
0xa5: {  	v58 =	vsub.f32 v22, v32;
	v37 =	vperm.xlane v2, v1;
	v1 =	vimm.s32 $0xA  }
0xa6: {  	v59 =	vsub.f32 v22, v34;
	v56 =	vsub.f32 v22, v35;
	v38 =	vperm.xlane v2, v1  }
0xa7: {  	v18 =	vperm.xlane v2, v16;
	v1 =	vsub.f32 v22, v26;
	v57 =	vsub.f32 v22, v36  }
0xa8: {  	s21 =	simm.s32 $0x40;
	v20 =	vimm.f32 $+Inf;
	v55 =	vsub.f32 v22, v37;
	v54 =	vsub.f32 v22, v38  }
.LBB2_8:
0xa9: {  	p0 =	sne.s32 s21, $0x7FC0;
	v1 =	vand.u32 $0x7FFFFFFF, v1;
	v2 =	vsub.f32 v22, v19;
	v3 =	vsub.f32 v22, v18  }
0xaa: {  	v4 =	vand.u32 $0x7FFFFFFF, v62;
	v5 =	vand.u32 $0x7FFFFFFF, v63;
	v6 =	vand.u32 $0x7FFFFFFF, v60  }
0xab: {  	v7 =	vand.u32 $0x7FFFFFFF, v61;
	v8 =	vand.u32 $0x7FFFFFFF, v58;
	v9 =	vand.u32 $0x7FFFFFFF, v59  }
0xac: {  	v10 =	vand.u32 $0x7FFFFFFF, v56;
	v11 =	vand.u32 $0x7FFFFFFF, v57;
	v55 =	vand.u32 $0x7FFFFFFF, v55  }
0xad: {  	v54 =	vand.u32 $0x7FFFFFFF, v54;
	v53 =	vand.u32 $0x7FFFFFFF, v53;
	v52 =	vand.u32 $0x7FFFFFFF, v52  }
0xae: {  	v51 =	vand.u32 $0x7FFFFFFF, v51;
	v2 =	vand.u32 $0x7FFFFFFF, v2;
	v3 =	vand.u32 $0x7FFFFFFF, v3  }
0xaf: {  	v22 =	vmin.f32 v1, v4;
	v56 =	vmin.f32 v5, v6;
	v57 =	vmin.f32 v7, v8  }
0xb0: {  	v58 =	vmin.f32 v9, v10;
	v59 =	vmin.f32 v11, v55;
	v60 =	vmin.f32 v54, v53;
	v61 =	vld [tilespmem:s20+$0x8100]  }
0xb1: {  	v62 =	vmin.f32 v52, v51;
	v56 =	vmin.f32 v22, v56;
	v63 =	vmin.f32 v2, v3  }
0xb2: {  	s22 =	sshra.s32 s21, $0x2;
	v57 =	vmin.f32 v57, v58;
	v58 =	vmin.f32 v59, v60;
	v59 =	vmin.f32 v62, v63  }
0xb3: {  	v49 =	vmin.f32 v49, v1;
	v56 =	vmin.f32 v56, v57;
	v57 =	vmin.f32 v58, v59;
	v22 =	vld [tilespmem:s22+$0x2100]  }
0xb4: {  	v50 =	vmin.f32 v50, v4;
	v48 =	vmin.f32 v48, v5;
	v1 =	vmin.f32 v56, v57  }
0xb5: {  	v47 =	vmin.f32 v47, v6;
	v46 =	vmin.f32 v46, v7;
	v1 =	vmin.f32 v61, v1  }
0xb6: {  	v44 =	vmin.f32 v44, v8;
	v42 =	vmin.f32 v42, v9;
	v41 =	vmin.f32 v41, v10;
	[tilespmem:s20+$0x8100] =	vst v1;
	s20 =	smov.u32 s22  }
0xb7: {  	v39 =	vmin.f32 v39, v11;
	v33 =	vmin.f32 v33, v55;
	v28 =	vmin.f32 v28, v54  }
0xb8: {  	v25 =	vmin.f32 v25, v53;
	v1 =	vsub.f32 v22, v26;
	v62 =	vsub.f32 v22, v27  }
0xb9: {  	v24 =	vmin.f32 v24, v52;
	v63 =	vsub.f32 v22, v29;
	v60 =	vsub.f32 v22, v30  }
.Ltmp3:
0xba: {  	v23 =	vmin.f32 v23, v51;
	v61 =	vsub.f32 v22, v31;
	v58 =	vsub.f32 v22, v32;
	(pc) =	sbr.rel @p0 .LBB2_8-.Ltmp3, $4  }
0xbb: {  	v21 =	vmin.f32 v21, v2;
	v59 =	vsub.f32 v22, v34;
	v56 =	vsub.f32 v22, v35  }
0xbc: {  	v20 =	vmin.f32 v20, v3;
	v57 =	vsub.f32 v22, v36;
	v55 =	vsub.f32 v22, v37  }
0xbd: {  	v54 =	vsub.f32 v22, v38;
	v53 =	vsub.f32 v22, v40  }
0xbe: {  	s21 =	sadd.s32 $0x40, s21;
	v52 =	vsub.f32 v22, v43;
	v51 =	vsub.f32 v22, v45  }
0xbf: {  	v1 =	vand.u32 $0x7FFFFFFF, v1  }
0xc0: {  	v2 =	vmin.f32 v49, v1  }
0xc1: {  	v3 =	vand.u32 $0x7FFFFFFF, v62;
	(xrf1) =	vsort.ascd.msk.f32 $0xffff, v2, v2  }
0xc2: {  	v2 =	vmin.f32 v50, v3  }
0xc3: {  	(xrf1) =	vsort.ascd.msk.f32 $0xffff, v2, v2;
	_ =	sdelay $0x1  }
0xc4: {  	v4 =	vand.u32 $0x7FFFFFFF, v63  }
0xc5: {  	v2 =	vmin.f32 v48, v4  }
0xc6: {  	(xrf1) =	vsort.ascd.msk.f32 $0xffff, v2, v2;
	_ =	sdelay $0x1  }
0xc7: {  	v5 =	vand.u32 $0x7FFFFFFF, v60  }
0xc8: {  	v2 =	vmin.f32 v47, v5  }
0xc9: {  	(xrf1) =	vsort.ascd.msk.f32 $0xffff, v2, v2;
	_ =	sdelay $0x1  }
0xca: {  	v6 =	vand.u32 $0x7FFFFFFF, v61  }
0xcb: {  	v2 =	vmin.f32 v46, v6  }
0xcc: {  	(xrf1) =	vsort.ascd.msk.f32 $0xffff, v2, v2;
	v11, _, _ =	vpop (xrf1)  }
0xcd: {  	v11 =	vnsel vm0, $0x0, v11  }
0xce: {  	v7 =	vand.u32 $0x7FFFFFFF, v58;
	v11 =	vadd.f32 v11, v17;
	v17, _, _ =	vpop (xrf1)  }
0xcf: {  	v2 =	vmin.f32 v44, v7;
	v17 =	vnsel vm0, $0x0, v17  }
0xd0: {  	(xrf1) =	vsort.ascd.msk.f32 $0xffff, v2, v2;
	_ =	sdelay $0x1  }
0xd1: {  	v8 =	vand.u32 $0x7FFFFFFF, v59;
	v11 =	vadd.f32 v17, v11;
	v17, _, _ =	vpop (xrf1)  }
0xd2: {  	v2 =	vmin.f32 v42, v8;
	v17 =	vnsel vm0, $0x0, v17  }
0xd3: {  	(xrf1) =	vsort.ascd.msk.f32 $0xffff, v2, v2;
	_ =	sdelay $0x1  }
0xd4: {  	v9 =	vand.u32 $0x7FFFFFFF, v56;
	v11 =	vadd.f32 v17, v11;
	v17, _, _ =	vpop (xrf1)  }
0xd5: {  	v2 =	vmin.f32 v41, v9;
	v17 =	vnsel vm0, $0x0, v17  }
0xd6: {  	(xrf1) =	vsort.ascd.msk.f32 $0xffff, v2, v2;
	_ =	sdelay $0x1  }
0xd7: {  	v10 =	vand.u32 $0x7FFFFFFF, v57;
	v11 =	vadd.f32 v17, v11;
	v17, _, _ =	vpop (xrf1)  }
0xd8: {  	v2 =	vmin.f32 v39, v10;
	v17 =	vnsel vm0, $0x0, v17  }
0xd9: {  	v26 =	vand.u32 $0x7FFFFFFF, v55;
	(xrf1) =	vsort.ascd.msk.f32 $0xffff, v2, v2  }
0xda: {  	v2 =	vmin.f32 v33, v26  }
0xdb: {  	v27 =	vand.u32 $0x7FFFFFFF, v54;
	(xrf1) =	vsort.ascd.msk.f32 $0xffff, v2, v2;
	v11 =	vadd.f32 v17, v11;
	v17, _, _ =	vpop (xrf1)  }
0xdc: {  	v2 =	vmin.f32 v28, v27;
	v17 =	vnsel vm0, $0x0, v17  }
0xdd: {  	v47 =	vand.u32 $0x7FFFFFFF, v53;
	(xrf1) =	vsort.ascd.msk.f32 $0xffff, v2, v2  }
0xde: {  	v2 =	vmin.f32 v25, v47  }
0xdf: {  	v48 =	vand.u32 $0x7FFFFFFF, v52;
	(xrf1) =	vsort.ascd.msk.f32 $0xffff, v2, v2;
	v11 =	vadd.f32 v17, v11;
	v17, _, _ =	vpop (xrf1)  }
0xe0: {  	v2 =	vmin.f32 v24, v48;
	v17 =	vnsel vm0, $0x0, v17  }
0xe1: {  	v19 =	vsub.f32 v22, v19;
	v49 =	vand.u32 $0x7FFFFFFF, v51;
	(xrf1) =	vsort.ascd.msk.f32 $0xffff, v2, v2  }
0xe2: {  	v2 =	vmin.f32 v23, v49  }
0xe3: {  	v18 =	vsub.f32 v22, v18;
	v19 =	vand.u32 $0x7FFFFFFF, v19;
	(xrf1) =	vsort.ascd.msk.f32 $0xffff, v2, v2;
	v11 =	vadd.f32 v17, v11;
	v17, _, _ =	vpop (xrf1)  }
0xe4: {  	v2 =	vmin.f32 v21, v19;
	v17 =	vnsel vm0, $0x0, v17  }
0xe5: {  	v18 =	vand.u32 $0x7FFFFFFF, v18;
	(xrf1) =	vsort.ascd.msk.f32 $0xffff, v2, v2  }
0xe6: {  	v2 =	vmin.f32 v20, v18  }
0xe7: {  	v11 =	vadd.f32 v17, v11;
	v17, _, _ =	vpop (xrf1);
	(xrf1) =	vsort.ascd.msk.f32 $0xffff, v2, v2  }
0xe8: {  	v2 =	vnsel vm0, $0x0, v17  }
0xe9: {  	v17, _, _ =	vpop (xrf1);
	v2 =	vadd.f32 v2, v11  }
0xea: {  	v50 =	vnsel vm0, $0x0, v17  }
0xeb: {  	v17, _, _ =	vpop (xrf1);
	v2 =	vadd.f32 v50, v2  }
0xec: {  	v1 =	vmin.f32 v1, v3;
	v54 =	vmin.f32 v8, v9;
	v51 =	vnsel vm0, $0x0, v17  }
0xed: {  	v55 =	vmin.f32 v10, v26;
	v3 =	vmin.f32 v4, v5;
	v17, _, _ =	vpop (xrf1);
	v2 =	vadd.f32 v51, v2  }
0xee: {  	v1 =	vmin.f32 v1, v3;
	v59 =	vmin.f32 v48, v49;
	v52 =	vnsel vm0, $0x0, v17  }
0xef: {  	v6 =	vmin.f32 v6, v7;
	v56 =	vmin.f32 v27, v47;
	v53, _, _ =	vpop (xrf1);
	v2 =	vadd.f32 v52, v2  }
0xf0: {  	v3 =	vmin.f32 v6, v54;
	v17 =	vmin.f32 v19, v18;
	v5 =	vnsel vm0, $0x0, v53  }
0xf1: {  	v58 =	vld [tilespmem:s20+$0x8100];
	s19 =	sadd.s32 $0x1, s19;
	v4 =	vmin.f32 v55, v56;
	v62 =	vmin.f32 v59, v17;
	v57, _, _ =	vpop (xrf1);
	v2 =	vadd.f32 v5, v2  }
0xf2: {  	p0 =	sne.s32 s19, $0x5;
	v1 =	vmin.f32 v1, v3;
	v3 =	vmin.f32 v4, v62;
	v60 =	vnsel vm0, $0x0, v57  }
.Ltmp4:
0xf3: {  	v61, _, _ =	vpop (xrf1);
	v2 =	vadd.f32 v60, v2;
	(pc) =	sbr.rel @p0 .LBB2_7-.Ltmp4, $4  }
0xf4: {  	v63 =	vnsel vm0, $0x0, v61  }
0xf5: {  	v1 =	vmin.f32 v1, v3;
	v2 =	vadd.f32 v63, v2;
	v3, _, _ =	vpop (xrf1)  }
0xf6: {  	v1 =	vmin.f32 v58, v1;
	v3 =	vnsel vm0, $0x0, v3  }
0xf7: {  	[tilespmem:s20+$0x8100] =	vst v1;
	s20 =	simm.s32 $0x0;
	v17 =	vadd.f32 v3, v2  }
.LBB2_10:
0xf8: {  	s19 =	sshll.u32 s20, $0x4  }
0xf9: {  	s19 =	sand.u32 $0x3FFFFFF0, s19  }
0xfa: {  	v1 =	vimm.s32 $0x0;
	v49 =	vimm.f32 $+Inf;
	v50 =	vimm.f32 $+Inf;
	v2 =	vld [tilespmem:s19+$0xA0]  }
0xfb: {  	v48 =	vimm.f32 $+Inf;
	v47 =	vimm.f32 $+Inf;
	v46 =	vimm.f32 $+Inf  }
0xfc: {  	v44 =	vimm.f32 $+Inf;
	v42 =	vimm.f32 $+Inf;
	v41 =	vimm.f32 $+Inf;
	s19 =	simm.s32 $0x0  }
0xfd: {  	v39 =	vimm.f32 $+Inf;
	v33 =	vimm.f32 $+Inf;
	v28 =	vimm.f32 $+Inf;
	v22 =	vld [tilespmem:s19+$0x4100]  }
0xfe: {  	v25 =	vimm.f32 $+Inf;
	v24 =	vimm.f32 $+Inf;
	v23 =	vimm.f32 $+Inf  }
0xff: {  	v21 =	vimm.f32 $+Inf;
	v26 =	vperm.xlane v2, v1;
	v40 =	vperm.xlane v2, v12  }
0x100: {  	v1 =	vimm.s32 $0x1;
	v43 =	vperm.xlane v2, v13;
	v45 =	vperm.xlane v2, v14  }
0x101: {  	v19 =	vperm.xlane v2, v15;
	v27 =	vperm.xlane v2, v1;
	v1 =	vimm.s32 $0x2  }
0x102: {  	v29 =	vperm.xlane v2, v1;
	v1 =	vimm.s32 $0x3;
	v53 =	vsub.f32 v22, v40  }
0x103: {  	v52 =	vsub.f32 v22, v43;
	v30 =	vperm.xlane v2, v1;
	v1 =	vimm.s32 $0x4  }
0x104: {  	v51 =	vsub.f32 v22, v45;
	v31 =	vperm.xlane v2, v1;
	v1 =	vimm.s32 $0x5  }
0x105: {  	v62 =	vsub.f32 v22, v27;
	v32 =	vperm.xlane v2, v1;
	v1 =	vimm.s32 $0x6  }
0x106: {  	v63 =	vsub.f32 v22, v29;
	v34 =	vperm.xlane v2, v1;
	v1 =	vimm.s32 $0x7  }
0x107: {  	v60 =	vsub.f32 v22, v30;
	v35 =	vperm.xlane v2, v1;
	v1 =	vimm.s32 $0x8  }
0x108: {  	v61 =	vsub.f32 v22, v31;
	v36 =	vperm.xlane v2, v1;
	v1 =	vimm.s32 $0x9  }
0x109: {  	v58 =	vsub.f32 v22, v32;
	v37 =	vperm.xlane v2, v1;
	v1 =	vimm.s32 $0xA  }
0x10a: {  	v59 =	vsub.f32 v22, v34;
	v56 =	vsub.f32 v22, v35;
	v38 =	vperm.xlane v2, v1  }
0x10b: {  	v18 =	vperm.xlane v2, v16;
	v1 =	vsub.f32 v22, v26;
	v57 =	vsub.f32 v22, v36  }
0x10c: {  	s21 =	simm.s32 $0x40;
	v20 =	vimm.f32 $+Inf;
	v55 =	vsub.f32 v22, v37;
	v54 =	vsub.f32 v22, v38  }
.LBB2_11:
0x10d: {  	p0 =	sne.s32 s21, $0x7FC0;
	v1 =	vand.u32 $0x7FFFFFFF, v1;
	v2 =	vsub.f32 v22, v19;
	v3 =	vsub.f32 v22, v18  }
0x10e: {  	v4 =	vand.u32 $0x7FFFFFFF, v62;
	v5 =	vand.u32 $0x7FFFFFFF, v63;
	v6 =	vand.u32 $0x7FFFFFFF, v60  }
0x10f: {  	v7 =	vand.u32 $0x7FFFFFFF, v61;
	v8 =	vand.u32 $0x7FFFFFFF, v58;
	v9 =	vand.u32 $0x7FFFFFFF, v59  }
0x110: {  	v10 =	vand.u32 $0x7FFFFFFF, v56;
	v11 =	vand.u32 $0x7FFFFFFF, v57;
	v55 =	vand.u32 $0x7FFFFFFF, v55  }
0x111: {  	v54 =	vand.u32 $0x7FFFFFFF, v54;
	v53 =	vand.u32 $0x7FFFFFFF, v53;
	v52 =	vand.u32 $0x7FFFFFFF, v52  }
0x112: {  	v51 =	vand.u32 $0x7FFFFFFF, v51;
	v2 =	vand.u32 $0x7FFFFFFF, v2;
	v3 =	vand.u32 $0x7FFFFFFF, v3  }
0x113: {  	v22 =	vmin.f32 v1, v4;
	v56 =	vmin.f32 v5, v6;
	v57 =	vmin.f32 v7, v8  }
0x114: {  	v58 =	vmin.f32 v9, v10;
	v59 =	vmin.f32 v11, v55;
	v60 =	vmin.f32 v54, v53;
	v61 =	vld [tilespmem:s19+$0xA100]  }
0x115: {  	v62 =	vmin.f32 v52, v51;
	v56 =	vmin.f32 v22, v56;
	v63 =	vmin.f32 v2, v3  }
0x116: {  	s22 =	sshra.s32 s21, $0x2;
	v57 =	vmin.f32 v57, v58;
	v58 =	vmin.f32 v59, v60;
	v59 =	vmin.f32 v62, v63  }
0x117: {  	v49 =	vmin.f32 v49, v1;
	v56 =	vmin.f32 v56, v57;
	v57 =	vmin.f32 v58, v59;
	v22 =	vld [tilespmem:s22+$0x4100]  }
0x118: {  	v50 =	vmin.f32 v50, v4;
	v48 =	vmin.f32 v48, v5;
	v1 =	vmin.f32 v56, v57  }
0x119: {  	v47 =	vmin.f32 v47, v6;
	v46 =	vmin.f32 v46, v7;
	v1 =	vmin.f32 v61, v1  }
0x11a: {  	v44 =	vmin.f32 v44, v8;
	v42 =	vmin.f32 v42, v9;
	v41 =	vmin.f32 v41, v10;
	[tilespmem:s19+$0xA100] =	vst v1;
	s19 =	smov.u32 s22  }
0x11b: {  	v39 =	vmin.f32 v39, v11;
	v33 =	vmin.f32 v33, v55;
	v28 =	vmin.f32 v28, v54  }
0x11c: {  	v25 =	vmin.f32 v25, v53;
	v1 =	vsub.f32 v22, v26;
	v62 =	vsub.f32 v22, v27  }
0x11d: {  	v24 =	vmin.f32 v24, v52;
	v63 =	vsub.f32 v22, v29;
	v60 =	vsub.f32 v22, v30  }
.Ltmp5:
0x11e: {  	v23 =	vmin.f32 v23, v51;
	v61 =	vsub.f32 v22, v31;
	v58 =	vsub.f32 v22, v32;
	(pc) =	sbr.rel @p0 .LBB2_11-.Ltmp5, $4  }
0x11f: {  	v21 =	vmin.f32 v21, v2;
	v59 =	vsub.f32 v22, v34;
	v56 =	vsub.f32 v22, v35  }
0x120: {  	v20 =	vmin.f32 v20, v3;
	v57 =	vsub.f32 v22, v36;
	v55 =	vsub.f32 v22, v37  }
0x121: {  	v54 =	vsub.f32 v22, v38;
	v53 =	vsub.f32 v22, v40  }
0x122: {  	s21 =	sadd.s32 $0x40, s21;
	v52 =	vsub.f32 v22, v43;
	v51 =	vsub.f32 v22, v45  }
0x123: {  	v1 =	vand.u32 $0x7FFFFFFF, v1  }
0x124: {  	v2 =	vmin.f32 v49, v1  }
0x125: {  	v3 =	vand.u32 $0x7FFFFFFF, v62;
	(xrf1) =	vsort.ascd.msk.f32 $0xffff, v2, v2  }
0x126: {  	v2 =	vmin.f32 v50, v3  }
0x127: {  	(xrf1) =	vsort.ascd.msk.f32 $0xffff, v2, v2;
	_ =	sdelay $0x1  }
0x128: {  	v4 =	vand.u32 $0x7FFFFFFF, v63  }
0x129: {  	v2 =	vmin.f32 v48, v4  }
0x12a: {  	(xrf1) =	vsort.ascd.msk.f32 $0xffff, v2, v2;
	_ =	sdelay $0x1  }
0x12b: {  	v5 =	vand.u32 $0x7FFFFFFF, v60  }
0x12c: {  	v2 =	vmin.f32 v47, v5  }
0x12d: {  	(xrf1) =	vsort.ascd.msk.f32 $0xffff, v2, v2;
	_ =	sdelay $0x1  }
0x12e: {  	v6 =	vand.u32 $0x7FFFFFFF, v61  }
0x12f: {  	v2 =	vmin.f32 v46, v6  }
0x130: {  	(xrf1) =	vsort.ascd.msk.f32 $0xffff, v2, v2;
	v11, _, _ =	vpop (xrf1)  }
0x131: {  	v11 =	vnsel vm0, $0x0, v11  }
0x132: {  	v7 =	vand.u32 $0x7FFFFFFF, v58;
	v11 =	vadd.f32 v11, v17;
	v17, _, _ =	vpop (xrf1)  }
0x133: {  	v2 =	vmin.f32 v44, v7;
	v17 =	vnsel vm0, $0x0, v17  }
0x134: {  	(xrf1) =	vsort.ascd.msk.f32 $0xffff, v2, v2;
	_ =	sdelay $0x1  }
0x135: {  	v8 =	vand.u32 $0x7FFFFFFF, v59;
	v11 =	vadd.f32 v17, v11;
	v17, _, _ =	vpop (xrf1)  }
0x136: {  	v2 =	vmin.f32 v42, v8;
	v17 =	vnsel vm0, $0x0, v17  }
0x137: {  	(xrf1) =	vsort.ascd.msk.f32 $0xffff, v2, v2;
	_ =	sdelay $0x1  }
0x138: {  	v9 =	vand.u32 $0x7FFFFFFF, v56;
	v11 =	vadd.f32 v17, v11;
	v17, _, _ =	vpop (xrf1)  }
0x139: {  	v2 =	vmin.f32 v41, v9;
	v17 =	vnsel vm0, $0x0, v17  }
0x13a: {  	(xrf1) =	vsort.ascd.msk.f32 $0xffff, v2, v2;
	_ =	sdelay $0x1  }
0x13b: {  	v10 =	vand.u32 $0x7FFFFFFF, v57;
	v11 =	vadd.f32 v17, v11;
	v17, _, _ =	vpop (xrf1)  }
0x13c: {  	v2 =	vmin.f32 v39, v10;
	v17 =	vnsel vm0, $0x0, v17  }
0x13d: {  	v26 =	vand.u32 $0x7FFFFFFF, v55;
	(xrf1) =	vsort.ascd.msk.f32 $0xffff, v2, v2  }
0x13e: {  	v2 =	vmin.f32 v33, v26  }
0x13f: {  	v27 =	vand.u32 $0x7FFFFFFF, v54;
	(xrf1) =	vsort.ascd.msk.f32 $0xffff, v2, v2;
	v11 =	vadd.f32 v17, v11;
	v17, _, _ =	vpop (xrf1)  }
0x140: {  	v2 =	vmin.f32 v28, v27;
	v17 =	vnsel vm0, $0x0, v17  }
0x141: {  	v47 =	vand.u32 $0x7FFFFFFF, v53;
	(xrf1) =	vsort.ascd.msk.f32 $0xffff, v2, v2  }
0x142: {  	v2 =	vmin.f32 v25, v47  }
0x143: {  	v48 =	vand.u32 $0x7FFFFFFF, v52;
	(xrf1) =	vsort.ascd.msk.f32 $0xffff, v2, v2;
	v11 =	vadd.f32 v17, v11;
	v17, _, _ =	vpop (xrf1)  }
0x144: {  	v2 =	vmin.f32 v24, v48;
	v17 =	vnsel vm0, $0x0, v17  }
0x145: {  	v19 =	vsub.f32 v22, v19;
	v49 =	vand.u32 $0x7FFFFFFF, v51;
	(xrf1) =	vsort.ascd.msk.f32 $0xffff, v2, v2  }
0x146: {  	v2 =	vmin.f32 v23, v49  }
0x147: {  	v18 =	vsub.f32 v22, v18;
	v19 =	vand.u32 $0x7FFFFFFF, v19;
	(xrf1) =	vsort.ascd.msk.f32 $0xffff, v2, v2;
	v11 =	vadd.f32 v17, v11;
	v17, _, _ =	vpop (xrf1)  }
0x148: {  	v2 =	vmin.f32 v21, v19;
	v17 =	vnsel vm0, $0x0, v17  }
0x149: {  	v18 =	vand.u32 $0x7FFFFFFF, v18;
	(xrf1) =	vsort.ascd.msk.f32 $0xffff, v2, v2  }
0x14a: {  	v2 =	vmin.f32 v20, v18  }
0x14b: {  	v11 =	vadd.f32 v17, v11;
	v17, _, _ =	vpop (xrf1);
	(xrf1) =	vsort.ascd.msk.f32 $0xffff, v2, v2  }
0x14c: {  	v2 =	vnsel vm0, $0x0, v17  }
0x14d: {  	v17, _, _ =	vpop (xrf1);
	v2 =	vadd.f32 v2, v11  }
0x14e: {  	v50 =	vnsel vm0, $0x0, v17  }
0x14f: {  	v17, _, _ =	vpop (xrf1);
	v2 =	vadd.f32 v50, v2  }
0x150: {  	v1 =	vmin.f32 v1, v3;
	v54 =	vmin.f32 v8, v9;
	v51 =	vnsel vm0, $0x0, v17  }
0x151: {  	v55 =	vmin.f32 v10, v26;
	v3 =	vmin.f32 v4, v5;
	v17, _, _ =	vpop (xrf1);
	v2 =	vadd.f32 v51, v2  }
0x152: {  	v1 =	vmin.f32 v1, v3;
	v59 =	vmin.f32 v48, v49;
	v52 =	vnsel vm0, $0x0, v17  }
0x153: {  	v6 =	vmin.f32 v6, v7;
	v56 =	vmin.f32 v27, v47;
	v53, _, _ =	vpop (xrf1);
	v2 =	vadd.f32 v52, v2  }
0x154: {  	v3 =	vmin.f32 v6, v54;
	v17 =	vmin.f32 v19, v18;
	v5 =	vnsel vm0, $0x0, v53  }
0x155: {  	v58 =	vld [tilespmem:s19+$0xA100];
	s20 =	sadd.s32 $0x1, s20;
	v4 =	vmin.f32 v55, v56;
	v62 =	vmin.f32 v59, v17;
	v57, _, _ =	vpop (xrf1);
	v2 =	vadd.f32 v5, v2  }
0x156: {  	p0 =	sne.s32 s20, $0x5;
	v1 =	vmin.f32 v1, v3;
	v3 =	vmin.f32 v4, v62;
	v60 =	vnsel vm0, $0x0, v57  }
.Ltmp6:
0x157: {  	v61, _, _ =	vpop (xrf1);
	v2 =	vadd.f32 v60, v2;
	(pc) =	sbr.rel @p0 .LBB2_10-.Ltmp6, $4  }
0x158: {  	v63 =	vnsel vm0, $0x0, v61  }
0x159: {  	v1 =	vmin.f32 v1, v3;
	v2 =	vadd.f32 v63, v2;
	v3, _, _ =	vpop (xrf1)  }
0x15a: {  	v1 =	vmin.f32 v58, v1;
	v3 =	vnsel vm0, $0x0, v3  }
0x15b: {  	[tilespmem:s19+$0xA100] =	vst v1;
	v17 =	vadd.f32 v3, v2  }
0x15c: {  	_ = 	snop  }
0x15d: {  	[tilespmem:$0xC100] =	vst v17  }
0x15e: {  	[hbm4b:s7+s2] =	stream.linear.scatter [tilespmem:s14], [sflag:$0x1], $0x80, $0x38;
	[tilespmem:$0xC180] =	vst v63  }
0x15f: {  	s18 =	sadd.s32 $0x1, s18;
	_ =	swait.ge [sflag:s10], $0x80  }
0x160: {  	p0 =	sne.s32 s18, s9;
	[sflag:s10] =	ssyncset.done $0x0  }
.Ltmp7:
0x161: {  	[sflag:s10] =	ssyncadd.s32 $0xFFFFFF80;
	(pc) =	sbr.rel @p0 .LBB2_1-.Ltmp7, $4  }
0x162: {  	[hbm4b:s8+s15] =	stream.strided.scatter [tilespmem:s17], [sflag:$0x1], $0x6000, s16, s15, $0x38;
	[tilespmem:$0xC180] =	vst v63  }
0x163: {  	_ =	swait.ge [sflag:s10], $0x6000  }
0x164: {  	[sflag:s10] =	ssyncset.done $0x0  }
0x165: {  	[sflag:s10] =	ssyncadd.s32 $0xFFFFA000  }
0x166: {  	_ =	sfence.sel $0x180000  }
0x167: {  	[bflag:$0x0] =	sbarrier.arrive $0xFFFF  }
0x168: {  	p0 =	sne.s32 s0, $0x0;
	_ =	strace $0x90000047  }
0x169: {  	s0 =	sadd.s32 @!p0 $0x100000, s1;
	[bflag:$0x2] =	sbarrier.arrive $0xFFFF  }
0x16a: {  	[sflag:s0] =	ssyncadd.tile.s32 @!p0 $0x1;
	_ =	shalt  }
.Lfunc_end2:
_tile_overlayer_lowered:
.L_overlay_start_2:
0x16b: {  	(tag) =	ssettag $0x2  }
0x16c: {  	s0 =	rddreg [dreg:$0x0];
	s2 =	stileid.u32  }
0x16d: {  	s1 =	rddreg [dreg:$0x1];
	p0 =	sne.s32 s2, $0x0  }
0x16e: {  	s3 =	rddreg [dreg:$0x2];
	[bflag:$0x3] =	sbarrier.arrive $0xFFFF;
	s2 =	simm.s32 @!p0 $0x1C01  }
0x16f: {  	[timem:s3], [sflag:s2] =	dma.local @!p0 [hbm:s0], s1  }
0x170: {  	s0 =	simm.s32 @!p0 $0x1  }
0x171: {  	_ =	swait.ge @!p0 [sflag:s0], s1  }
0x172: {  	s1 =	ssub.s32 @!p0 $0x0, s1;
	[sflag:s0] =	ssyncset.done @!p0 $0x0  }
0x173: {  	[sflag:s0] =	ssyncadd.s32 @!p0 s1  }
0x174: {  	[bflag:$0x3] =	sbarrier.arrive $0xFFFF  }
0x175: {  	_ =	shalt  }

</sc_bundles>
